<compile_context>
chip_gen: v7x
topology: tpu7x:2x2x1
jax: 0.10.2.dev20260603
libtpu: 0.0.44.dev20260713+nightly
codegen_flags: <defaults>
</compile_context>

<pallas_src>
import functools

import jax
import jax.numpy as jnp
from jax import lax
from jax.experimental import pallas as pl
from jax.experimental.pallas import tpu as pltpu
from jax.experimental.pallas import tpu_sc as plsc

BATCH = 16384
EMBED = 32
HID = 64
ACT = 6

NUM_CORES = 2
NUM_SUBCORES = 16
NUM_WORKERS = NUM_CORES * NUM_SUBCORES
B_PER_W = BATCH // NUM_WORKERS


def _sc_gather(table, idx):
    mesh = plsc.VectorSubcoreMesh(core_axis_name="c", subcore_axis_name="s")

    @functools.partial(
        pl.kernel,
        mesh=mesh,
        out_type=jax.ShapeDtypeStruct((BATCH, EMBED), jnp.float32),
        scratch_types=[
            pltpu.VMEM((B_PER_W,), jnp.int32),
            pltpu.VMEM((B_PER_W, EMBED), jnp.float32),
            pltpu.SemaphoreType.DMA,
            pltpu.SemaphoreType.DMA,
            pltpu.SemaphoreType.DMA,
            pltpu.SemaphoreType.DMA,
            pltpu.SemaphoreType.DMA,
            pltpu.SemaphoreType.DMA,
            pltpu.SemaphoreType.DMA,
            pltpu.SemaphoreType.DMA,
            pltpu.SemaphoreType.DMA,
        ],
        compiler_params=pltpu.CompilerParams(needs_layout_passes=False),
    )
    def gather_kernel(idx_hbm, table_hbm, out_hbm, idx_v, rows_v, sem_i,
                      s0, s1, s2, s3, s4, s5, s6, s7):
        sems = (s0, s1, s2, s3, s4, s5, s6, s7)
        wid = lax.axis_index("s") * NUM_CORES + lax.axis_index("c")
        base = wid * B_PER_W
        pltpu.async_copy(idx_hbm.at[pl.ds(base, B_PER_W)], idx_v, sem_i).wait()

        @pl.loop(0, B_PER_W, step=16)
        def _(i):
            vec = idx_v[pl.ds(i, 16)]
            for j in range(16):
                pltpu.async_copy(
                    table_hbm.at[pl.ds(vec[j], 1)],
                    rows_v.at[pl.ds(i + j, 1)],
                    sems[j % 8],
                )

        for q in range(8):
            pltpu.make_async_copy(
                table_hbm.at[pl.ds(0, B_PER_W // 8)],
                rows_v.at[pl.ds(q * (B_PER_W // 8), B_PER_W // 8)],
                sems[q],
            ).wait()
        pltpu.async_copy(rows_v, out_hbm.at[pl.ds(base, B_PER_W)], sem_i).wait()

    return gather_kernel(idx, table)


def _mlp_body(x_ref, w1_ref, b1_ref, w2_ref, b2_ref, o_ref):
    h = jnp.dot(x_ref[...], w1_ref[...], preferred_element_type=jnp.float32)
    h = jnp.maximum(h + b1_ref[...], 0.0)
    o = jnp.dot(h, w2_ref[...], preferred_element_type=jnp.float32)
    o_ref[...] = o + b2_ref[...]


def _tc_mlp(x, W1, b1, W2, b2):
    nblk = 8
    blk = BATCH // nblk
    return pl.pallas_call(
        _mlp_body,
        grid=(nblk,),
        in_specs=[
            pl.BlockSpec((blk, EMBED), lambda i: (i, 0)),
            pl.BlockSpec((EMBED, HID), lambda i: (0, 0)),
            pl.BlockSpec((1, HID), lambda i: (0, 0)),
            pl.BlockSpec((HID, ACT), lambda i: (0, 0)),
            pl.BlockSpec((1, ACT), lambda i: (0, 0)),
        ],
        out_specs=pl.BlockSpec((blk, ACT), lambda i: (i, 0)),
        out_shape=jax.ShapeDtypeStruct((BATCH, ACT), jnp.float32),
    )(x, W1, b1.reshape(1, HID), W2, b2.reshape(1, ACT))


def kernel(state, table, W1, b1, W2, b2):
    x = _sc_gather(table, state.astype(jnp.int32))
    return _tc_mlp(x, W1, b1, W2, b2)

# --- scband reference (transcript-rebuilt; emitter-appended) ---
"""Pipeline reference for scband-qnetwork-27943057227957 (READ-ONLY COPY).

The authoritative reference and input builder live on the scoring server;
editing this copy changes nothing except your own understanding.
"""

import jax, jax.numpy as jnp
import numpy as np

NUM_STATES = 1000000
NUM_ACTIONS = 6
EMBED_DIM = 32
HIDDEN_DIM = 64
BATCH = 16384


def setup_inputs(seed: int = 0) -> dict:
    key = jax.random.key(seed)
    k_state, k_tab, k_w1, k_b1, k_w2, k_b2 = jax.random.split(key, 6)
    state = jax.random.randint(k_state, (BATCH,), 0, NUM_STATES, dtype=jnp.int64 if jax.config.jax_enable_x64 else jnp.int32)
    table = jax.random.normal(k_tab, (NUM_STATES, EMBED_DIM), dtype=jnp.float32)
    W1 = jax.random.normal(k_w1, (EMBED_DIM, HIDDEN_DIM), dtype=jnp.float32) * (1.0 / np.sqrt(EMBED_DIM))
    b1 = jax.random.normal(k_b1, (HIDDEN_DIM,), dtype=jnp.float32) * 0.01
    W2 = jax.random.normal(k_w2, (HIDDEN_DIM, NUM_ACTIONS), dtype=jnp.float32) * (1.0 / np.sqrt(HIDDEN_DIM))
    b2 = jax.random.normal(k_b2, (NUM_ACTIONS,), dtype=jnp.float32) * 0.01
    return {"state": state, "table": table, "W1": W1, "b1": b1, "W2": W2, "b2": b2}


def reference(state, table, W1, b1, W2, b2):
    # embedding lookup (gather)
    x = jnp.take(table, state, axis=0)  # [B, EMBED_DIM]
    # fc: Linear -> ReLU -> Linear
    h = jnp.maximum(x @ W1 + b1, 0.0)
    q_values = h @ W2 + b2
    return q_values

if __name__ == "__main__":
    import jax
    _d = setup_inputs()
    print(jax.jit(kernel)(*tuple(_d.values())))

</pallas_src>

<mosaic_0001>
#map = affine_map<(d0, d1) -> (0)>
#map1 = affine_map<(d0, d1) -> (0, 0)>
module attributes {stable_mosaic.version = 14 : i64} {
  func.func @gather_kernel(%arg0: i32, %arg1: i32, %arg2: memref<16384xi32, #tpu.memory_space<hbm>>, %arg3: memref<1000000x32xf32, #tpu.memory_space<hbm>>, %arg4: memref<16384x32xf32, #tpu.memory_space<hbm>>, %arg5: memref<512xi32, #tpu.memory_space<vmem>>, %arg6: memref<512x32xf32, #tpu.memory_space<vmem>>, %arg7: memref<!tpu.dma_semaphore, #tpu.memory_space<semaphore_mem>>, %arg8: memref<!tpu.dma_semaphore, #tpu.memory_space<semaphore_mem>>, %arg9: memref<!tpu.dma_semaphore, #tpu.memory_space<semaphore_mem>>, %arg10: memref<!tpu.dma_semaphore, #tpu.memory_space<semaphore_mem>>, %arg11: memref<!tpu.dma_semaphore, #tpu.memory_space<semaphore_mem>>, %arg12: memref<!tpu.dma_semaphore, #tpu.memory_space<semaphore_mem>>, %arg13: memref<!tpu.dma_semaphore, #tpu.memory_space<semaphore_mem>>, %arg14: memref<!tpu.dma_semaphore, #tpu.memory_space<semaphore_mem>>, %arg15: memref<!tpu.dma_semaphore, #tpu.memory_space<semaphore_mem>>) attributes {dimension_semantics = [#tpu.dimension_semantics<core_parallel>, #tpu.dimension_semantics<subcore_parallel>], iteration_bounds = array<i64: 2, 16>, scalar_prefetch = 0 : i64, scratch_operands = 11 : i64, tpu.core_type = #tpu.core_type<sc_vector_subcore>, window_params = [{transform_indices = #map}, {transform_indices = #map1}, {transform_indices = #map1}]} {
    %mul3A = arith.constant 2 : i32
    %mul3A_0 = arith.muli %arg1, %mul3A : i32
    %add3A = arith.addi %mul3A_0, %arg0 : i32
    %mul3A_1 = arith.constant 512 : i32
    %mul3A_2 = arith.muli %add3A, %mul3A_1 : i32
    %dma_start3A = tpu.memref_slice %arg2[%mul3A_2] : memref<16384xi32, #tpu.memory_space<hbm>> -> memref<512xi32, #tpu.memory_space<hbm>>
    %dma_start3A_3 = tpu.memref_slice %arg2[%mul3A_2] : memref<16384xi32, #tpu.memory_space<hbm>> -> memref<512xi32, #tpu.memory_space<hbm>>
    tpu.enqueue_dma source(%dma_start3A_3 : memref<512xi32, #tpu.memory_space<hbm>>) target(%arg5 : memref<512xi32, #tpu.memory_space<vmem>>) target_semaphore(%arg7 : memref<!tpu.dma_semaphore, #tpu.memory_space<semaphore_mem>>)
    %dma_wait3A = tpu.memref_slice %arg2[%mul3A_2] : memref<16384xi32, #tpu.memory_space<hbm>> -> memref<512xi32, #tpu.memory_space<hbm>>
    %dma_wait3A_4 = tpu.memref_slice %arg2[%mul3A_2] : memref<16384xi32, #tpu.memory_space<hbm>> -> memref<512xi32, #tpu.memory_space<hbm>>
    tpu.wait_dma2 semaphore(%arg7 : memref<!tpu.dma_semaphore, #tpu.memory_space<semaphore_mem>>) src(%dma_wait3A_4 : memref<512xi32, #tpu.memory_space<hbm>>) dst(%arg5 : memref<512xi32, #tpu.memory_space<vmem>>)
    %scan3A = arith.constant 0 : i32
    %scan3A_5 = arith.constant 32 : i32
    %scan3A_6 = arith.addi %scan3A, %scan3A_5 : i32
    %scan3A_7 = arith.constant 1 : i32
    scf.for %scan3A_113 = %scan3A to %scan3A_6 step %scan3A_7  : i32 {
      %mul3A_114 = arith.constant 16 : i32
      %mul3A_115 = arith.muli %scan3A_113, %mul3A_114 : i32
      %add3A_116 = arith.constant 0 : i32
      %add3A_117 = arith.addi %add3A_116, %mul3A_115 : i32
      %get3A = arith.index_cast %add3A_117 : i32 to index
      %get3A_118 = tpu.vector_load %arg5[%get3A] {strides = array<i32>} : memref<512xi32, #tpu.memory_space<vmem>>, vector<16xi32>,
      %slice3A = vector.extract_strided_slice %get3A_118 {offsets = [0], sizes = [1], strides = [1]} : vector<16xi32> to vector<1xi32>
      %squeeze3A = vector.extract %slice3A[0] : i32 from vector<1xi32>
      %add3A_119 = arith.constant 0 : i32
      %add3A_120 = arith.addi %add3A_117, %add3A_119 : i32
      %dma_start3A_121 = arith.constant 0 : i32
      %dma_start3A_122 = tpu.memref_slice %arg6[%add3A_120, %dma_start3A_121] : memref<512x32xf32, #tpu.memory_space<vmem>> -> memref<1x32xf32, #tpu.memory_space<vmem>>
      %dma_start3A_123 = arith.constant 0 : i32
      %dma_start3A_124 = tpu.memref_slice %arg3[%squeeze3A, %dma_start3A_123] : memref<1000000x32xf32, #tpu.memory_space<hbm>> -> memref<1x32xf32, #tpu.memory_space<hbm>>
      %dma_start3A_125 = arith.constant 0 : i32
      %dma_start3A_126 = tpu.memref_slice %arg6[%add3A_120, %dma_start3A_125] : memref<512x32xf32, #tpu.memory_space<vmem>> -> memref<1x32xf32, #tpu.memory_space<vmem>>
      %dma_start3A_127 = arith.constant 0 : i32
      %dma_start3A_128 = tpu.memref_slice %arg3[%squeeze3A, %dma_start3A_127] : memref<1000000x32xf32, #tpu.memory_space<hbm>> -> memref<1x32xf32, #tpu.memory_space<hbm>>
      tpu.enqueue_dma source(%dma_start3A_128 : memref<1x32xf32, #tpu.memory_space<hbm>>) target(%dma_start3A_126 : memref<1x32xf32, #tpu.memory_space<vmem>>) target_semaphore(%arg8 : memref<!tpu.dma_semaphore, #tpu.memory_space<semaphore_mem>>)
      %slice3A_129 = vector.extract_strided_slice %get3A_118 {offsets = [1], sizes = [1], strides = [1]} : vector<16xi32> to vector<1xi32>
      %squeeze3A_130 = vector.extract %slice3A_129[0] : i32 from vector<1xi32>
      %add3A_131 = arith.constant 1 : i32
      %add3A_132 = arith.addi %add3A_117, %add3A_131 : i32
      %dma_start3A_133 = arith.constant 0 : i32
      %dma_start3A_134 = tpu.memref_slice %arg6[%add3A_132, %dma_start3A_133] : memref<512x32xf32, #tpu.memory_space<vmem>> -> memref<1x32xf32, #tpu.memory_space<vmem>>
      %dma_start3A_135 = arith.constant 0 : i32
      %dma_start3A_136 = tpu.memref_slice %arg3[%squeeze3A_130, %dma_start3A_135] : memref<1000000x32xf32, #tpu.memory_space<hbm>> -> memref<1x32xf32, #tpu.memory_space<hbm>>
      %dma_start3A_137 = arith.constant 0 : i32
      %dma_start3A_138 = tpu.memref_slice %arg6[%add3A_132, %dma_start3A_137] : memref<512x32xf32, #tpu.memory_space<vmem>> -> memref<1x32xf32, #tpu.memory_space<vmem>>
      %dma_start3A_139 = arith.constant 0 : i32
      %dma_start3A_140 = tpu.memref_slice %arg3[%squeeze3A_130, %dma_start3A_139] : memref<1000000x32xf32, #tpu.memory_space<hbm>> -> memref<1x32xf32, #tpu.memory_space<hbm>>
      tpu.enqueue_dma source(%dma_start3A_140 : memref<1x32xf32, #tpu.memory_space<hbm>>) target(%dma_start3A_138 : memref<1x32xf32, #tpu.memory_space<vmem>>) target_semaphore(%arg9 : memref<!tpu.dma_semaphore, #tpu.memory_space<semaphore_mem>>)
      %slice3A_141 = vector.extract_strided_slice %get3A_118 {offsets = [2], sizes = [1], strides = [1]} : vector<16xi32> to vector<1xi32>
      %squeeze3A_142 = vector.extract %slice3A_141[0] : i32 from vector<1xi32>
      %add3A_143 = arith.constant 2 : i32
      %add3A_144 = arith.addi %add3A_117, %add3A_143 : i32
      %dma_start3A_145 = arith.constant 0 : i32
      %dma_start3A_146 = tpu.memref_slice %arg6[%add3A_144, %dma_start3A_145] : memref<512x32xf32, #tpu.memory_space<vmem>> -> memref<1x32xf32, #tpu.memory_space<vmem>>
      %dma_start3A_147 = arith.constant 0 : i32
      %dma_start3A_148 = tpu.memref_slice %arg3[%squeeze3A_142, %dma_start3A_147] : memref<1000000x32xf32, #tpu.memory_space<hbm>> -> memref<1x32xf32, #tpu.memory_space<hbm>>
      %dma_start3A_149 = arith.constant 0 : i32
      %dma_start3A_150 = tpu.memref_slice %arg6[%add3A_144, %dma_start3A_149] : memref<512x32xf32, #tpu.memory_space<vmem>> -> memref<1x32xf32, #tpu.memory_space<vmem>>
      %dma_start3A_151 = arith.constant 0 : i32
      %dma_start3A_152 = tpu.memref_slice %arg3[%squeeze3A_142, %dma_start3A_151] : memref<1000000x32xf32, #tpu.memory_space<hbm>> -> memref<1x32xf32, #tpu.memory_space<hbm>>
      tpu.enqueue_dma source(%dma_start3A_152 : memref<1x32xf32, #tpu.memory_space<hbm>>) target(%dma_start3A_150 : memref<1x32xf32, #tpu.memory_space<vmem>>) target_semaphore(%arg10 : memref<!tpu.dma_semaphore, #tpu.memory_space<semaphore_mem>>)
      %slice3A_153 = vector.extract_strided_slice %get3A_118 {offsets = [3], sizes = [1], strides = [1]} : vector<16xi32> to vector<1xi32>
      %squeeze3A_154 = vector.extract %slice3A_153[0] : i32 from vector<1xi32>
      %add3A_155 = arith.constant 3 : i32
      %add3A_156 = arith.addi %add3A_117, %add3A_155 : i32
      %dma_start3A_157 = arith.constant 0 : i32
      %dma_start3A_158 = tpu.memref_slice %arg6[%add3A_156, %dma_start3A_157] : memref<512x32xf32, #tpu.memory_space<vmem>> -> memref<1x32xf32, #tpu.memory_space<vmem>>
      %dma_start3A_159 = arith.constant 0 : i32
      %dma_start3A_160 = tpu.memref_slice %arg3[%squeeze3A_154, %dma_start3A_159] : memref<1000000x32xf32, #tpu.memory_space<hbm>> -> memref<1x32xf32, #tpu.memory_space<hbm>>
      %dma_start3A_161 = arith.constant 0 : i32
      %dma_start3A_162 = tpu.memref_slice %arg6[%add3A_156, %dma_start3A_161] : memref<512x32xf32, #tpu.memory_space<vmem>> -> memref<1x32xf32, #tpu.memory_space<vmem>>
      %dma_start3A_163 = arith.constant 0 : i32
      %dma_start3A_164 = tpu.memref_slice %arg3[%squeeze3A_154, %dma_start3A_163] : memref<1000000x32xf32, #tpu.memory_space<hbm>> -> memref<1x32xf32, #tpu.memory_space<hbm>>
      tpu.enqueue_dma source(%dma_start3A_164 : memref<1x32xf32, #tpu.memory_space<hbm>>) target(%dma_start3A_162 : memref<1x32xf32, #tpu.memory_space<vmem>>) target_semaphore(%arg11 : memref<!tpu.dma_semaphore, #tpu.memory_space<semaphore_mem>>)
      %slice3A_165 = vector.extract_strided_slice %get3A_118 {offsets = [4], sizes = [1], strides = [1]} : vector<16xi32> to vector<1xi32>
      %squeeze3A_166 = vector.extract %slice3A_165[0] : i32 from vector<1xi32>
      %add3A_167 = arith.constant 4 : i32
      %add3A_168 = arith.addi %add3A_117, %add3A_167 : i32
      %dma_start3A_169 = arith.constant 0 : i32
      %dma_start3A_170 = tpu.memref_slice %arg6[%add3A_168, %dma_start3A_169] : memref<512x32xf32, #tpu.memory_space<vmem>> -> memref<1x32xf32, #tpu.memory_space<vmem>>
      %dma_start3A_171 = arith.constant 0 : i32
      %dma_start3A_172 = tpu.memref_slice %arg3[%squeeze3A_166, %dma_start3A_171] : memref<1000000x32xf32, #tpu.memory_space<hbm>> -> memref<1x32xf32, #tpu.memory_space<hbm>>
      %dma_start3A_173 = arith.constant 0 : i32
      %dma_start3A_174 = tpu.memref_slice %arg6[%add3A_168, %dma_start3A_173] : memref<512x32xf32, #tpu.memory_space<vmem>> -> memref<1x32xf32, #tpu.memory_space<vmem>>
      %dma_start3A_175 = arith.constant 0 : i32
      %dma_start3A_176 = tpu.memref_slice %arg3[%squeeze3A_166, %dma_start3A_175] : memref<1000000x32xf32, #tpu.memory_space<hbm>> -> memref<1x32xf32, #tpu.memory_space<hbm>>
      tpu.enqueue_dma source(%dma_start3A_176 : memref<1x32xf32, #tpu.memory_space<hbm>>) target(%dma_start3A_174 : memref<1x32xf32, #tpu.memory_space<vmem>>) target_semaphore(%arg12 : memref<!tpu.dma_semaphore, #tpu.memory_space<semaphore_mem>>)
      %slice3A_177 = vector.extract_strided_slice %get3A_118 {offsets = [5], sizes = [1], strides = [1]} : vector<16xi32> to vector<1xi32>
      %squeeze3A_178 = vector.extract %slice3A_177[0] : i32 from vector<1xi32>
      %add3A_179 = arith.constant 5 : i32
      %add3A_180 = arith.addi %add3A_117, %add3A_179 : i32
      %dma_start3A_181 = arith.constant 0 : i32
      %dma_start3A_182 = tpu.memref_slice %arg6[%add3A_180, %dma_start3A_181] : memref<512x32xf32, #tpu.memory_space<vmem>> -> memref<1x32xf32, #tpu.memory_space<vmem>>
      %dma_start3A_183 = arith.constant 0 : i32
      %dma_start3A_184 = tpu.memref_slice %arg3[%squeeze3A_178, %dma_start3A_183] : memref<1000000x32xf32, #tpu.memory_space<hbm>> -> memref<1x32xf32, #tpu.memory_space<hbm>>
      %dma_start3A_185 = arith.constant 0 : i32
      %dma_start3A_186 = tpu.memref_slice %arg6[%add3A_180, %dma_start3A_185] : memref<512x32xf32, #tpu.memory_space<vmem>> -> memref<1x32xf32, #tpu.memory_space<vmem>>
      %dma_start3A_187 = arith.constant 0 : i32
      %dma_start3A_188 = tpu.memref_slice %arg3[%squeeze3A_178, %dma_start3A_187] : memref<1000000x32xf32, #tpu.memory_space<hbm>> -> memref<1x32xf32, #tpu.memory_space<hbm>>
      tpu.enqueue_dma source(%dma_start3A_188 : memref<1x32xf32, #tpu.memory_space<hbm>>) target(%dma_start3A_186 : memref<1x32xf32, #tpu.memory_space<vmem>>) target_semaphore(%arg13 : memref<!tpu.dma_semaphore, #tpu.memory_space<semaphore_mem>>)
      %slice3A_189 = vector.extract_strided_slice %get3A_118 {offsets = [6], sizes = [1], strides = [1]} : vector<16xi32> to vector<1xi32>
      %squeeze3A_190 = vector.extract %slice3A_189[0] : i32 from vector<1xi32>
      %add3A_191 = arith.constant 6 : i32
      %add3A_192 = arith.addi %add3A_117, %add3A_191 : i32
      %dma_start3A_193 = arith.constant 0 : i32
      %dma_start3A_194 = tpu.memref_slice %arg6[%add3A_192, %dma_start3A_193] : memref<512x32xf32, #tpu.memory_space<vmem>> -> memref<1x32xf32, #tpu.memory_space<vmem>>
      %dma_start3A_195 = arith.constant 0 : i32
      %dma_start3A_196 = tpu.memref_slice %arg3[%squeeze3A_190, %dma_start3A_195] : memref<1000000x32xf32, #tpu.memory_space<hbm>> -> memref<1x32xf32, #tpu.memory_space<hbm>>
      %dma_start3A_197 = arith.constant 0 : i32
      %dma_start3A_198 = tpu.memref_slice %arg6[%add3A_192, %dma_start3A_197] : memref<512x32xf32, #tpu.memory_space<vmem>> -> memref<1x32xf32, #tpu.memory_space<vmem>>
      %dma_start3A_199 = arith.constant 0 : i32
      %dma_start3A_200 = tpu.memref_slice %arg3[%squeeze3A_190, %dma_start3A_199] : memref<1000000x32xf32, #tpu.memory_space<hbm>> -> memref<1x32xf32, #tpu.memory_space<hbm>>
      tpu.enqueue_dma source(%dma_start3A_200 : memref<1x32xf32, #tpu.memory_space<hbm>>) target(%dma_start3A_198 : memref<1x32xf32, #tpu.memory_space<vmem>>) target_semaphore(%arg14 : memref<!tpu.dma_semaphore, #tpu.memory_space<semaphore_mem>>)
      %slice3A_201 = vector.extract_strided_slice %get3A_118 {offsets = [7], sizes = [1], strides = [1]} : vector<16xi32> to vector<1xi32>
      %squeeze3A_202 = vector.extract %slice3A_201[0] : i32 from vector<1xi32>
      %add3A_203 = arith.constant 7 : i32
      %add3A_204 = arith.addi %add3A_117, %add3A_203 : i32
      %dma_start3A_205 = arith.constant 0 : i32
      %dma_start3A_206 = tpu.memref_slice %arg6[%add3A_204, %dma_start3A_205] : memref<512x32xf32, #tpu.memory_space<vmem>> -> memref<1x32xf32, #tpu.memory_space<vmem>>
      %dma_start3A_207 = arith.constant 0 : i32
      %dma_start3A_208 = tpu.memref_slice %arg3[%squeeze3A_202, %dma_start3A_207] : memref<1000000x32xf32, #tpu.memory_space<hbm>> -> memref<1x32xf32, #tpu.memory_space<hbm>>
      %dma_start3A_209 = arith.constant 0 : i32
      %dma_start3A_210 = tpu.memref_slice %arg6[%add3A_204, %dma_start3A_209] : memref<512x32xf32, #tpu.memory_space<vmem>> -> memref<1x32xf32, #tpu.memory_space<vmem>>
      %dma_start3A_211 = arith.constant 0 : i32
      %dma_start3A_212 = tpu.memref_slice %arg3[%squeeze3A_202, %dma_start3A_211] : memref<1000000x32xf32, #tpu.memory_space<hbm>> -> memref<1x32xf32, #tpu.memory_space<hbm>>
      tpu.enqueue_dma source(%dma_start3A_212 : memref<1x32xf32, #tpu.memory_space<hbm>>) target(%dma_start3A_210 : memref<1x32xf32, #tpu.memory_space<vmem>>) target_semaphore(%arg15 : memref<!tpu.dma_semaphore, #tpu.memory_space<semaphore_mem>>)
      %slice3A_213 = vector.extract_strided_slice %get3A_118 {offsets = [8], sizes = [1], strides = [1]} : vector<16xi32> to vector<1xi32>
      %squeeze3A_214 = vector.extract %slice3A_213[0] : i32 from vector<1xi32>
      %add3A_215 = arith.constant 8 : i32
      %add3A_216 = arith.addi %add3A_117, %add3A_215 : i32
      %dma_start3A_217 = arith.constant 0 : i32
      %dma_start3A_218 = tpu.memref_slice %arg6[%add3A_216, %dma_start3A_217] : memref<512x32xf32, #tpu.memory_space<vmem>> -> memref<1x32xf32, #tpu.memory_space<vmem>>
      %dma_start3A_219 = arith.constant 0 : i32
      %dma_start3A_220 = tpu.memref_slice %arg3[%squeeze3A_214, %dma_start3A_219] : memref<1000000x32xf32, #tpu.memory_space<hbm>> -> memref<1x32xf32, #tpu.memory_space<hbm>>
      %dma_start3A_221 = arith.constant 0 : i32
      %dma_start3A_222 = tpu.memref_slice %arg6[%add3A_216, %dma_start3A_221] : memref<512x32xf32, #tpu.memory_space<vmem>> -> memref<1x32xf32, #tpu.memory_space<vmem>>
      %dma_start3A_223 = arith.constant 0 : i32
      %dma_start3A_224 = tpu.memref_slice %arg3[%squeeze3A_214, %dma_start3A_223] : memref<1000000x32xf32, #tpu.memory_space<hbm>> -> memref<1x32xf32, #tpu.memory_space<hbm>>
      tpu.enqueue_dma source(%dma_start3A_224 : memref<1x32xf32, #tpu.memory_space<hbm>>) target(%dma_start3A_222 : memref<1x32xf32, #tpu.memory_space<vmem>>) target_semaphore(%arg8 : memref<!tpu.dma_semaphore, #tpu.memory_space<semaphore_mem>>)
      %slice3A_225 = vector.extract_strided_slice %get3A_118 {offsets = [9], sizes = [1], strides = [1]} : vector<16xi32> to vector<1xi32>
      %squeeze3A_226 = vector.extract %slice3A_225[0] : i32 from vector<1xi32>
      %add3A_227 = arith.constant 9 : i32
      %add3A_228 = arith.addi %add3A_117, %add3A_227 : i32
      %dma_start3A_229 = arith.constant 0 : i32
      %dma_start3A_230 = tpu.memref_slice %arg6[%add3A_228, %dma_start3A_229] : memref<512x32xf32, #tpu.memory_space<vmem>> -> memref<1x32xf32, #tpu.memory_space<vmem>>
      %dma_start3A_231 = arith.constant 0 : i32
      %dma_start3A_232 = tpu.memref_slice %arg3[%squeeze3A_226, %dma_start3A_231] : memref<1000000x32xf32, #tpu.memory_space<hbm>> -> memref<1x32xf32, #tpu.memory_space<hbm>>
      %dma_start3A_233 = arith.constant 0 : i32
      %dma_start3A_234 = tpu.memref_slice %arg6[%add3A_228, %dma_start3A_233] : memref<512x32xf32, #tpu.memory_space<vmem>> -> memref<1x32xf32, #tpu.memory_space<vmem>>
      %dma_start3A_235 = arith.constant 0 : i32
      %dma_start3A_236 = tpu.memref_slice %arg3[%squeeze3A_226, %dma_start3A_235] : memref<1000000x32xf32, #tpu.memory_space<hbm>> -> memref<1x32xf32, #tpu.memory_space<hbm>>
      tpu.enqueue_dma source(%dma_start3A_236 : memref<1x32xf32, #tpu.memory_space<hbm>>) target(%dma_start3A_234 : memref<1x32xf32, #tpu.memory_space<vmem>>) target_semaphore(%arg9 : memref<!tpu.dma_semaphore, #tpu.memory_space<semaphore_mem>>)
      %slice3A_237 = vector.extract_strided_slice %get3A_118 {offsets = [10], sizes = [1], strides = [1]} : vector<16xi32> to vector<1xi32>
      %squeeze3A_238 = vector.extract %slice3A_237[0] : i32 from vector<1xi32>
      %add3A_239 = arith.constant 10 : i32
      %add3A_240 = arith.addi %add3A_117, %add3A_239 : i32
      %dma_start3A_241 = arith.constant 0 : i32
      %dma_start3A_242 = tpu.memref_slice %arg6[%add3A_240, %dma_start3A_241] : memref<512x32xf32, #tpu.memory_space<vmem>> -> memref<1x32xf32, #tpu.memory_space<vmem>>
      %dma_start3A_243 = arith.constant 0 : i32
      %dma_start3A_244 = tpu.memref_slice %arg3[%squeeze3A_238, %dma_start3A_243] : memref<1000000x32xf32, #tpu.memory_space<hbm>> -> memref<1x32xf32, #tpu.memory_space<hbm>>
      %dma_start3A_245 = arith.constant 0 : i32
      %dma_start3A_246 = tpu.memref_slice %arg6[%add3A_240, %dma_start3A_245] : memref<512x32xf32, #tpu.memory_space<vmem>> -> memref<1x32xf32, #tpu.memory_space<vmem>>
      %dma_start3A_247 = arith.constant 0 : i32
      %dma_start3A_248 = tpu.memref_slice %arg3[%squeeze3A_238, %dma_start3A_247] : memref<1000000x32xf32, #tpu.memory_space<hbm>> -> memref<1x32xf32, #tpu.memory_space<hbm>>
      tpu.enqueue_dma source(%dma_start3A_248 : memref<1x32xf32, #tpu.memory_space<hbm>>) target(%dma_start3A_246 : memref<1x32xf32, #tpu.memory_space<vmem>>) target_semaphore(%arg10 : memref<!tpu.dma_semaphore, #tpu.memory_space<semaphore_mem>>)
      %slice3A_249 = vector.extract_strided_slice %get3A_118 {offsets = [11], sizes = [1], strides = [1]} : vector<16xi32> to vector<1xi32>
      %squeeze3A_250 = vector.extract %slice3A_249[0] : i32 from vector<1xi32>
      %add3A_251 = arith.constant 11 : i32
      %add3A_252 = arith.addi %add3A_117, %add3A_251 : i32
      %dma_start3A_253 = arith.constant 0 : i32
      %dma_start3A_254 = tpu.memref_slice %arg6[%add3A_252, %dma_start3A_253] : memref<512x32xf32, #tpu.memory_space<vmem>> -> memref<1x32xf32, #tpu.memory_space<vmem>>
      %dma_start3A_255 = arith.constant 0 : i32
      %dma_start3A_256 = tpu.memref_slice %arg3[%squeeze3A_250, %dma_start3A_255] : memref<1000000x32xf32, #tpu.memory_space<hbm>> -> memref<1x32xf32, #tpu.memory_space<hbm>>
      %dma_start3A_257 = arith.constant 0 : i32
      %dma_start3A_258 = tpu.memref_slice %arg6[%add3A_252, %dma_start3A_257] : memref<512x32xf32, #tpu.memory_space<vmem>> -> memref<1x32xf32, #tpu.memory_space<vmem>>
      %dma_start3A_259 = arith.constant 0 : i32
      %dma_start3A_260 = tpu.memref_slice %arg3[%squeeze3A_250, %dma_start3A_259] : memref<1000000x32xf32, #tpu.memory_space<hbm>> -> memref<1x32xf32, #tpu.memory_space<hbm>>
      tpu.enqueue_dma source(%dma_start3A_260 : memref<1x32xf32, #tpu.memory_space<hbm>>) target(%dma_start3A_258 : memref<1x32xf32, #tpu.memory_space<vmem>>) target_semaphore(%arg11 : memref<!tpu.dma_semaphore, #tpu.memory_space<semaphore_mem>>)
      %slice3A_261 = vector.extract_strided_slice %get3A_118 {offsets = [12], sizes = [1], strides = [1]} : vector<16xi32> to vector<1xi32>
      %squeeze3A_262 = vector.extract %slice3A_261[0] : i32 from vector<1xi32>
      %add3A_263 = arith.constant 12 : i32
      %add3A_264 = arith.addi %add3A_117, %add3A_263 : i32
      %dma_start3A_265 = arith.constant 0 : i32
      %dma_start3A_266 = tpu.memref_slice %arg6[%add3A_264, %dma_start3A_265] : memref<512x32xf32, #tpu.memory_space<vmem>> -> memref<1x32xf32, #tpu.memory_space<vmem>>
      %dma_start3A_267 = arith.constant 0 : i32
      %dma_start3A_268 = tpu.memref_slice %arg3[%squeeze3A_262, %dma_start3A_267] : memref<1000000x32xf32, #tpu.memory_space<hbm>> -> memref<1x32xf32, #tpu.memory_space<hbm>>
      %dma_start3A_269 = arith.constant 0 : i32
      %dma_start3A_270 = tpu.memref_slice %arg6[%add3A_264, %dma_start3A_269] : memref<512x32xf32, #tpu.memory_space<vmem>> -> memref<1x32xf32, #tpu.memory_space<vmem>>
      %dma_start3A_271 = arith.constant 0 : i32
      %dma_start3A_272 = tpu.memref_slice %arg3[%squeeze3A_262, %dma_start3A_271] : memref<1000000x32xf32, #tpu.memory_space<hbm>> -> memref<1x32xf32, #tpu.memory_space<hbm>>
      tpu.enqueue_dma source(%dma_start3A_272 : memref<1x32xf32, #tpu.memory_space<hbm>>) target(%dma_start3A_270 : memref<1x32xf32, #tpu.memory_space<vmem>>) target_semaphore(%arg12 : memref<!tpu.dma_semaphore, #tpu.memory_space<semaphore_mem>>)
      %slice3A_273 = vector.extract_strided_slice %get3A_118 {offsets = [13], sizes = [1], strides = [1]} : vector<16xi32> to vector<1xi32>
      %squeeze3A_274 = vector.extract %slice3A_273[0] : i32 from vector<1xi32>
      %add3A_275 = arith.constant 13 : i32
      %add3A_276 = arith.addi %add3A_117, %add3A_275 : i32
      %dma_start3A_277 = arith.constant 0 : i32
      %dma_start3A_278 = tpu.memref_slice %arg6[%add3A_276, %dma_start3A_277] : memref<512x32xf32, #tpu.memory_space<vmem>> -> memref<1x32xf32, #tpu.memory_space<vmem>>
      %dma_start3A_279 = arith.constant 0 : i32
      %dma_start3A_280 = tpu.memref_slice %arg3[%squeeze3A_274, %dma_start3A_279] : memref<1000000x32xf32, #tpu.memory_space<hbm>> -> memref<1x32xf32, #tpu.memory_space<hbm>>
      %dma_start3A_281 = arith.constant 0 : i32
      %dma_start3A_282 = tpu.memref_slice %arg6[%add3A_276, %dma_start3A_281] : memref<512x32xf32, #tpu.memory_space<vmem>> -> memref<1x32xf32, #tpu.memory_space<vmem>>
      %dma_start3A_283 = arith.constant 0 : i32
      %dma_start3A_284 = tpu.memref_slice %arg3[%squeeze3A_274, %dma_start3A_283] : memref<1000000x32xf32, #tpu.memory_space<hbm>> -> memref<1x32xf32, #tpu.memory_space<hbm>>
      tpu.enqueue_dma source(%dma_start3A_284 : memref<1x32xf32, #tpu.memory_space<hbm>>) target(%dma_start3A_282 : memref<1x32xf32, #tpu.memory_space<vmem>>) target_semaphore(%arg13 : memref<!tpu.dma_semaphore, #tpu.memory_space<semaphore_mem>>)
      %slice3A_285 = vector.extract_strided_slice %get3A_118 {offsets = [14], sizes = [1], strides = [1]} : vector<16xi32> to vector<1xi32>
      %squeeze3A_286 = vector.extract %slice3A_285[0] : i32 from vector<1xi32>
      %add3A_287 = arith.constant 14 : i32
      %add3A_288 = arith.addi %add3A_117, %add3A_287 : i32
      %dma_start3A_289 = arith.constant 0 : i32
      %dma_start3A_290 = tpu.memref_slice %arg6[%add3A_288, %dma_start3A_289] : memref<512x32xf32, #tpu.memory_space<vmem>> -> memref<1x32xf32, #tpu.memory_space<vmem>>
      %dma_start3A_291 = arith.constant 0 : i32
      %dma_start3A_292 = tpu.memref_slice %arg3[%squeeze3A_286, %dma_start3A_291] : memref<1000000x32xf32, #tpu.memory_space<hbm>> -> memref<1x32xf32, #tpu.memory_space<hbm>>
      %dma_start3A_293 = arith.constant 0 : i32
      %dma_start3A_294 = tpu.memref_slice %arg6[%add3A_288, %dma_start3A_293] : memref<512x32xf32, #tpu.memory_space<vmem>> -> memref<1x32xf32, #tpu.memory_space<vmem>>
      %dma_start3A_295 = arith.constant 0 : i32
      %dma_start3A_296 = tpu.memref_slice %arg3[%squeeze3A_286, %dma_start3A_295] : memref<1000000x32xf32, #tpu.memory_space<hbm>> -> memref<1x32xf32, #tpu.memory_space<hbm>>
      tpu.enqueue_dma source(%dma_start3A_296 : memref<1x32xf32, #tpu.memory_space<hbm>>) target(%dma_start3A_294 : memref<1x32xf32, #tpu.memory_space<vmem>>) target_semaphore(%arg14 : memref<!tpu.dma_semaphore, #tpu.memory_space<semaphore_mem>>)
      %slice3A_297 = vector.extract_strided_slice %get3A_118 {offsets = [15], sizes = [1], strides = [1]} : vector<16xi32> to vector<1xi32>
      %squeeze3A_298 = vector.extract %slice3A_297[0] : i32 from vector<1xi32>
      %add3A_299 = arith.constant 15 : i32
      %add3A_300 = arith.addi %add3A_117, %add3A_299 : i32
      %dma_start3A_301 = arith.constant 0 : i32
      %dma_start3A_302 = tpu.memref_slice %arg6[%add3A_300, %dma_start3A_301] : memref<512x32xf32, #tpu.memory_space<vmem>> -> memref<1x32xf32, #tpu.memory_space<vmem>>
      %dma_start3A_303 = arith.constant 0 : i32
      %dma_start3A_304 = tpu.memref_slice %arg3[%squeeze3A_298, %dma_start3A_303] : memref<1000000x32xf32, #tpu.memory_space<hbm>> -> memref<1x32xf32, #tpu.memory_space<hbm>>
      %dma_start3A_305 = arith.constant 0 : i32
      %dma_start3A_306 = tpu.memref_slice %arg6[%add3A_300, %dma_start3A_305] : memref<512x32xf32, #tpu.memory_space<vmem>> -> memref<1x32xf32, #tpu.memory_space<vmem>>
      %dma_start3A_307 = arith.constant 0 : i32
      %dma_start3A_308 = tpu.memref_slice %arg3[%squeeze3A_298, %dma_start3A_307] : memref<1000000x32xf32, #tpu.memory_space<hbm>> -> memref<1x32xf32, #tpu.memory_space<hbm>>
      tpu.enqueue_dma source(%dma_start3A_308 : memref<1x32xf32, #tpu.memory_space<hbm>>) target(%dma_start3A_306 : memref<1x32xf32, #tpu.memory_space<vmem>>) target_semaphore(%arg15 : memref<!tpu.dma_semaphore, #tpu.memory_space<semaphore_mem>>)
    }
    %scan3A_8 = arith.constant 32 : i32
    %dma_wait3A_9 = arith.constant 0 : i32
    %dma_wait3A_10 = arith.constant 0 : i32
    %dma_wait3A_11 = tpu.memref_slice %arg6[%dma_wait3A_9, %dma_wait3A_10] : memref<512x32xf32, #tpu.memory_space<vmem>> -> memref<64x32xf32, #tpu.memory_space<vmem>>
    %dma_wait3A_12 = arith.constant 0 : i32
    %dma_wait3A_13 = arith.constant 0 : i32
    %dma_wait3A_14 = tpu.memref_slice %arg3[%dma_wait3A_12, %dma_wait3A_13] : memref<1000000x32xf32, #tpu.memory_space<hbm>> -> memref<64x32xf32, #tpu.memory_space<hbm>>
    %dma_wait3A_15 = arith.constant 0 : i32
    %dma_wait3A_16 = arith.constant 0 : i32
    %dma_wait3A_17 = tpu.memref_slice %arg6[%dma_wait3A_15, %dma_wait3A_16] : memref<512x32xf32, #tpu.memory_space<vmem>> -> memref<64x32xf32, #tpu.memory_space<vmem>>
    %dma_wait3A_18 = arith.constant 0 : i32
    %dma_wait3A_19 = arith.constant 0 : i32
    %dma_wait3A_20 = tpu.memref_slice %arg3[%dma_wait3A_18, %dma_wait3A_19] : memref<1000000x32xf32, #tpu.memory_space<hbm>> -> memref<64x32xf32, #tpu.memory_space<hbm>>
    tpu.wait_dma2 semaphore(%arg8 : memref<!tpu.dma_semaphore, #tpu.memory_space<semaphore_mem>>) src(%dma_wait3A_20 : memref<64x32xf32, #tpu.memory_space<hbm>>) dst(%dma_wait3A_17 : memref<64x32xf32, #tpu.memory_space<vmem>>)
    %dma_wait3A_21 = arith.constant 64 : i32
    %dma_wait3A_22 = arith.constant 0 : i32
    %dma_wait3A_23 = tpu.memref_slice %arg6[%dma_wait3A_21, %dma_wait3A_22] : memref<512x32xf32, #tpu.memory_space<vmem>> -> memref<64x32xf32, #tpu.memory_space<vmem>>
    %dma_wait3A_24 = arith.constant 0 : i32
    %dma_wait3A_25 = arith.constant 0 : i32
    %dma_wait3A_26 = tpu.memref_slice %arg3[%dma_wait3A_24, %dma_wait3A_25] : memref<1000000x32xf32, #tpu.memory_space<hbm>> -> memref<64x32xf32, #tpu.memory_space<hbm>>
    %dma_wait3A_27 = arith.constant 64 : i32
    %dma_wait3A_28 = arith.constant 0 : i32
    %dma_wait3A_29 = tpu.memref_slice %arg6[%dma_wait3A_27, %dma_wait3A_28] : memref<512x32xf32, #tpu.memory_space<vmem>> -> memref<64x32xf32, #tpu.memory_space<vmem>>
    %dma_wait3A_30 = arith.constant 0 : i32
    %dma_wait3A_31 = arith.constant 0 : i32
    %dma_wait3A_32 = tpu.memref_slice %arg3[%dma_wait3A_30, %dma_wait3A_31] : memref<1000000x32xf32, #tpu.memory_space<hbm>> -> memref<64x32xf32, #tpu.memory_space<hbm>>
    tpu.wait_dma2 semaphore(%arg9 : memref<!tpu.dma_semaphore, #tpu.memory_space<semaphore_mem>>) src(%dma_wait3A_32 : memref<64x32xf32, #tpu.memory_space<hbm>>) dst(%dma_wait3A_29 : memref<64x32xf32, #tpu.memory_space<vmem>>)
    %dma_wait3A_33 = arith.constant 128 : i32
    %dma_wait3A_34 = arith.constant 0 : i32
    %dma_wait3A_35 = tpu.memref_slice %arg6[%dma_wait3A_33, %dma_wait3A_34] : memref<512x32xf32, #tpu.memory_space<vmem>> -> memref<64x32xf32, #tpu.memory_space<vmem>>
    %dma_wait3A_36 = arith.constant 0 : i32
    %dma_wait3A_37 = arith.constant 0 : i32
    %dma_wait3A_38 = tpu.memref_slice %arg3[%dma_wait3A_36, %dma_wait3A_37] : memref<1000000x32xf32, #tpu.memory_space<hbm>> -> memref<64x32xf32, #tpu.memory_space<hbm>>
    %dma_wait3A_39 = arith.constant 128 : i32
    %dma_wait3A_40 = arith.constant 0 : i32
    %dma_wait3A_41 = tpu.memref_slice %arg6[%dma_wait3A_39, %dma_wait3A_40] : memref<512x32xf32, #tpu.memory_space<vmem>> -> memref<64x32xf32, #tpu.memory_space<vmem>>
    %dma_wait3A_42 = arith.constant 0 : i32
    %dma_wait3A_43 = arith.constant 0 : i32
    %dma_wait3A_44 = tpu.memref_slice %arg3[%dma_wait3A_42, %dma_wait3A_43] : memref<1000000x32xf32, #tpu.memory_space<hbm>> -> memref<64x32xf32, #tpu.memory_space<hbm>>
    tpu.wait_dma2 semaphore(%arg10 : memref<!tpu.dma_semaphore, #tpu.memory_space<semaphore_mem>>) src(%dma_wait3A_44 : memref<64x32xf32, #tpu.memory_space<hbm>>) dst(%dma_wait3A_41 : memref<64x32xf32, #tpu.memory_space<vmem>>)
    %dma_wait3A_45 = arith.constant 192 : i32
    %dma_wait3A_46 = arith.constant 0 : i32
    %dma_wait3A_47 = tpu.memref_slice %arg6[%dma_wait3A_45, %dma_wait3A_46] : memref<512x32xf32, #tpu.memory_space<vmem>> -> memref<64x32xf32, #tpu.memory_space<vmem>>
    %dma_wait3A_48 = arith.constant 0 : i32
    %dma_wait3A_49 = arith.constant 0 : i32
    %dma_wait3A_50 = tpu.memref_slice %arg3[%dma_wait3A_48, %dma_wait3A_49] : memref<1000000x32xf32, #tpu.memory_space<hbm>> -> memref<64x32xf32, #tpu.memory_space<hbm>>
    %dma_wait3A_51 = arith.constant 192 : i32
    %dma_wait3A_52 = arith.constant 0 : i32
    %dma_wait3A_53 = tpu.memref_slice %arg6[%dma_wait3A_51, %dma_wait3A_52] : memref<512x32xf32, #tpu.memory_space<vmem>> -> memref<64x32xf32, #tpu.memory_space<vmem>>
    %dma_wait3A_54 = arith.constant 0 : i32
    %dma_wait3A_55 = arith.constant 0 : i32
    %dma_wait3A_56 = tpu.memref_slice %arg3[%dma_wait3A_54, %dma_wait3A_55] : memref<1000000x32xf32, #tpu.memory_space<hbm>> -> memref<64x32xf32, #tpu.memory_space<hbm>>
    tpu.wait_dma2 semaphore(%arg11 : memref<!tpu.dma_semaphore, #tpu.memory_space<semaphore_mem>>) src(%dma_wait3A_56 : memref<64x32xf32, #tpu.memory_space<hbm>>) dst(%dma_wait3A_53 : memref<64x32xf32, #tpu.memory_space<vmem>>)
    %dma_wait3A_57 = arith.constant 256 : i32
    %dma_wait3A_58 = arith.constant 0 : i32
    %dma_wait3A_59 = tpu.memref_slice %arg6[%dma_wait3A_57, %dma_wait3A_58] : memref<512x32xf32, #tpu.memory_space<vmem>> -> memref<64x32xf32, #tpu.memory_space<vmem>>
    %dma_wait3A_60 = arith.constant 0 : i32
    %dma_wait3A_61 = arith.constant 0 : i32
    %dma_wait3A_62 = tpu.memref_slice %arg3[%dma_wait3A_60, %dma_wait3A_61] : memref<1000000x32xf32, #tpu.memory_space<hbm>> -> memref<64x32xf32, #tpu.memory_space<hbm>>
    %dma_wait3A_63 = arith.constant 256 : i32
    %dma_wait3A_64 = arith.constant 0 : i32
    %dma_wait3A_65 = tpu.memref_slice %arg6[%dma_wait3A_63, %dma_wait3A_64] : memref<512x32xf32, #tpu.memory_space<vmem>> -> memref<64x32xf32, #tpu.memory_space<vmem>>
    %dma_wait3A_66 = arith.constant 0 : i32
    %dma_wait3A_67 = arith.constant 0 : i32
    %dma_wait3A_68 = tpu.memref_slice %arg3[%dma_wait3A_66, %dma_wait3A_67] : memref<1000000x32xf32, #tpu.memory_space<hbm>> -> memref<64x32xf32, #tpu.memory_space<hbm>>
    tpu.wait_dma2 semaphore(%arg12 : memref<!tpu.dma_semaphore, #tpu.memory_space<semaphore_mem>>) src(%dma_wait3A_68 : memref<64x32xf32, #tpu.memory_space<hbm>>) dst(%dma_wait3A_65 : memref<64x32xf32, #tpu.memory_space<vmem>>)
    %dma_wait3A_69 = arith.constant 320 : i32
    %dma_wait3A_70 = arith.constant 0 : i32
    %dma_wait3A_71 = tpu.memref_slice %arg6[%dma_wait3A_69, %dma_wait3A_70] : memref<512x32xf32, #tpu.memory_space<vmem>> -> memref<64x32xf32, #tpu.memory_space<vmem>>
    %dma_wait3A_72 = arith.constant 0 : i32
    %dma_wait3A_73 = arith.constant 0 : i32
    %dma_wait3A_74 = tpu.memref_slice %arg3[%dma_wait3A_72, %dma_wait3A_73] : memref<1000000x32xf32, #tpu.memory_space<hbm>> -> memref<64x32xf32, #tpu.memory_space<hbm>>
    %dma_wait3A_75 = arith.constant 320 : i32
    %dma_wait3A_76 = arith.constant 0 : i32
    %dma_wait3A_77 = tpu.memref_slice %arg6[%dma_wait3A_75, %dma_wait3A_76] : memref<512x32xf32, #tpu.memory_space<vmem>> -> memref<64x32xf32, #tpu.memory_space<vmem>>
    %dma_wait3A_78 = arith.constant 0 : i32
    %dma_wait3A_79 = arith.constant 0 : i32
    %dma_wait3A_80 = tpu.memref_slice %arg3[%dma_wait3A_78, %dma_wait3A_79] : memref<1000000x32xf32, #tpu.memory_space<hbm>> -> memref<64x32xf32, #tpu.memory_space<hbm>>
    tpu.wait_dma2 semaphore(%arg13 : memref<!tpu.dma_semaphore, #tpu.memory_space<semaphore_mem>>) src(%dma_wait3A_80 : memref<64x32xf32, #tpu.memory_space<hbm>>) dst(%dma_wait3A_77 : memref<64x32xf32, #tpu.memory_space<vmem>>)
    %dma_wait3A_81 = arith.constant 384 : i32
    %dma_wait3A_82 = arith.constant 0 : i32
    %dma_wait3A_83 = tpu.memref_slice %arg6[%dma_wait3A_81, %dma_wait3A_82] : memref<512x32xf32, #tpu.memory_space<vmem>> -> memref<64x32xf32, #tpu.memory_space<vmem>>
    %dma_wait3A_84 = arith.constant 0 : i32
    %dma_wait3A_85 = arith.constant 0 : i32
    %dma_wait3A_86 = tpu.memref_slice %arg3[%dma_wait3A_84, %dma_wait3A_85] : memref<1000000x32xf32, #tpu.memory_space<hbm>> -> memref<64x32xf32, #tpu.memory_space<hbm>>
    %dma_wait3A_87 = arith.constant 384 : i32
    %dma_wait3A_88 = arith.constant 0 : i32
    %dma_wait3A_89 = tpu.memref_slice %arg6[%dma_wait3A_87, %dma_wait3A_88] : memref<512x32xf32, #tpu.memory_space<vmem>> -> memref<64x32xf32, #tpu.memory_space<vmem>>
    %dma_wait3A_90 = arith.constant 0 : i32
    %dma_wait3A_91 = arith.constant 0 : i32
    %dma_wait3A_92 = tpu.memref_slice %arg3[%dma_wait3A_90, %dma_wait3A_91] : memref<1000000x32xf32, #tpu.memory_space<hbm>> -> memref<64x32xf32, #tpu.memory_space<hbm>>
    tpu.wait_dma2 semaphore(%arg14 : memref<!tpu.dma_semaphore, #tpu.memory_space<semaphore_mem>>) src(%dma_wait3A_92 : memref<64x32xf32, #tpu.memory_space<hbm>>) dst(%dma_wait3A_89 : memref<64x32xf32, #tpu.memory_space<vmem>>)
    %dma_wait3A_93 = arith.constant 448 : i32
    %dma_wait3A_94 = arith.constant 0 : i32
    %dma_wait3A_95 = tpu.memref_slice %arg6[%dma_wait3A_93, %dma_wait3A_94] : memref<512x32xf32, #tpu.memory_space<vmem>> -> memref<64x32xf32, #tpu.memory_space<vmem>>
    %dma_wait3A_96 = arith.constant 0 : i32
    %dma_wait3A_97 = arith.constant 0 : i32
    %dma_wait3A_98 = tpu.memref_slice %arg3[%dma_wait3A_96, %dma_wait3A_97] : memref<1000000x32xf32, #tpu.memory_space<hbm>> -> memref<64x32xf32, #tpu.memory_space<hbm>>
    %dma_wait3A_99 = arith.constant 448 : i32
    %dma_wait3A_100 = arith.constant 0 : i32
    %dma_wait3A_101 = tpu.memref_slice %arg6[%dma_wait3A_99, %dma_wait3A_100] : memref<512x32xf32, #tpu.memory_space<vmem>> -> memref<64x32xf32, #tpu.memory_space<vmem>>
    %dma_wait3A_102 = arith.constant 0 : i32
    %dma_wait3A_103 = arith.constant 0 : i32
    %dma_wait3A_104 = tpu.memref_slice %arg3[%dma_wait3A_102, %dma_wait3A_103] : memref<1000000x32xf32, #tpu.memory_space<hbm>> -> memref<64x32xf32, #tpu.memory_space<hbm>>
    tpu.wait_dma2 semaphore(%arg15 : memref<!tpu.dma_semaphore, #tpu.memory_space<semaphore_mem>>) src(%dma_wait3A_104 : memref<64x32xf32, #tpu.memory_space<hbm>>) dst(%dma_wait3A_101 : memref<64x32xf32, #tpu.memory_space<vmem>>)
    %dma_start3A_105 = arith.constant 0 : i32
    %dma_start3A_106 = tpu.memref_slice %arg4[%mul3A_2, %dma_start3A_105] : memref<16384x32xf32, #tpu.memory_space<hbm>> -> memref<512x32xf32, #tpu.memory_space<hbm>>
    %dma_start3A_107 = arith.constant 0 : i32
    %dma_start3A_108 = tpu.memref_slice %arg4[%mul3A_2, %dma_start3A_107] : memref<16384x32xf32, #tpu.memory_space<hbm>> -> memref<512x32xf32, #tpu.memory_space<hbm>>
    tpu.enqueue_dma source(%arg6 : memref<512x32xf32, #tpu.memory_space<vmem>>) target(%dma_start3A_108 : memref<512x32xf32, #tpu.memory_space<hbm>>) target_semaphore(%arg7 : memref<!tpu.dma_semaphore, #tpu.memory_space<semaphore_mem>>)
    %dma_wait3A_109 = arith.constant 0 : i32
    %dma_wait3A_110 = tpu.memref_slice %arg4[%mul3A_2, %dma_wait3A_109] : memref<16384x32xf32, #tpu.memory_space<hbm>> -> memref<512x32xf32, #tpu.memory_space<hbm>>
    %dma_wait3A_111 = arith.constant 0 : i32
    %dma_wait3A_112 = tpu.memref_slice %arg4[%mul3A_2, %dma_wait3A_111] : memref<16384x32xf32, #tpu.memory_space<hbm>> -> memref<512x32xf32, #tpu.memory_space<hbm>>
    tpu.wait_dma2 semaphore(%arg7 : memref<!tpu.dma_semaphore, #tpu.memory_space<semaphore_mem>>) src(%arg6 : memref<512x32xf32, #tpu.memory_space<vmem>>) dst(%dma_wait3A_112 : memref<512x32xf32, #tpu.memory_space<hbm>>)
    return
  }
}

module attributes {stable_mosaic.version = 14 : i64} {
  func.func @_mlp_body(%arg0: i32, %arg1: memref<2048x32xf32, #tpu.memory_space<vmem>>, %arg2: memref<32x64xf32, #tpu.memory_space<vmem>>, %arg3: memref<1x64xf32, #tpu.memory_space<vmem>>, %arg4: memref<64x6xf32, #tpu.memory_space<vmem>>, %arg5: memref<1x6xf32, #tpu.memory_space<vmem>>, %arg6: memref<2048x6xf32, #tpu.memory_space<vmem>>) attributes {dimension_semantics = [#tpu.dimension_semantics<arbitrary>], iteration_bounds = array<i64: 8>, scalar_prefetch = 0 : i64, scratch_operands = 0 : i64, tpu.core_type = #tpu.core_type<tc>, window_params = [{transform_indices = @transform_0, window_bounds = array<i64: 2048, 32>}, {pipeline_mode = #tpu.pipeline_mode<synchronous>, transform_indices = @transform_1, window_bounds = array<i64: 32, 64>}, {pipeline_mode = #tpu.pipeline_mode<synchronous>, transform_indices = @transform_2, window_bounds = array<i64: 1, 64>}, {pipeline_mode = #tpu.pipeline_mode<synchronous>, transform_indices = @transform_3, window_bounds = array<i64: 64, 6>}, {pipeline_mode = #tpu.pipeline_mode<synchronous>, transform_indices = @transform_4, window_bounds = array<i64: 1, 6>}, {transform_indices = @transform_5, window_bounds = array<i64: 2048, 6>}]} {
    %get3A = arith.constant 0 : index
    %get3A_0 = arith.constant 0 : index
    %get3A_1 = vector.load %arg1[%get3A, %get3A_0] : memref<2048x32xf32, #tpu.memory_space<vmem>>, vector<2048x32xf32>
    %get3A_2 = arith.constant 0 : index
    %get3A_3 = arith.constant 0 : index
    %get3A_4 = vector.load %arg2[%get3A_2, %get3A_3] : memref<32x64xf32, #tpu.memory_space<vmem>>, vector<32x64xf32>
    %dot_general3A = arith.constant dense<0.000000e+00> : vector<2048x64xf32>
    %dot_general3A_5 = tpu.matmul %get3A_1, %get3A_4, %dot_general3A {dimension_numbers = #tpu.dot_dimension_numbers<[1], [0], [0], [1], [0, 0, 1, 1], [], []>, transpose_lhs_hint = false} : vector<2048x32xf32>, vector<32x64xf32>, vector<2048x64xf32> -> vector<2048x64xf32>
    %get3A_6 = arith.constant 0 : index
    %get3A_7 = arith.constant 0 : index
    %get3A_8 = vector.load %arg3[%get3A_6, %get3A_7] : memref<1x64xf32, #tpu.memory_space<vmem>>, vector<1x64xf32>
    %add3A = vector.broadcast %get3A_8 : vector<1x64xf32> to vector<2048x64xf32>
    %add3A_9 = arith.addf %dot_general3A_5, %add3A : vector<2048x64xf32>
    %max3A = arith.constant 0.000000e+00 : f32
    %max3A_10 = vector.broadcast %max3A : f32 to vector<2048x64xf32>
    %max3A_11 = arith.maximumf %add3A_9, %max3A_10 : vector<2048x64xf32>
    %get3A_12 = arith.constant 0 : index
    %get3A_13 = arith.constant 0 : index
    %get3A_14 = vector.load %arg4[%get3A_12, %get3A_13] : memref<64x6xf32, #tpu.memory_space<vmem>>, vector<64x6xf32>
    %dot_general3A_15 = arith.constant dense<0.000000e+00> : vector<2048x6xf32>
    %dot_general3A_16 = tpu.matmul %max3A_11, %get3A_14, %dot_general3A_15 {dimension_numbers = #tpu.dot_dimension_numbers<[1], [0], [0], [1], [0, 0, 1, 1], [], []>, transpose_lhs_hint = false} : vector<2048x64xf32>, vector<64x6xf32>, vector<2048x6xf32> -> vector<2048x6xf32>
    %get3A_17 = arith.constant 0 : index
    %get3A_18 = arith.constant 0 : index
    %get3A_19 = vector.load %arg5[%get3A_17, %get3A_18] : memref<1x6xf32, #tpu.memory_space<vmem>>, vector<1x6xf32>
    %add3A_20 = vector.broadcast %get3A_19 : vector<1x6xf32> to vector<2048x6xf32>
    %add3A_21 = arith.addf %dot_general3A_16, %add3A_20 : vector<2048x6xf32>
    %swap3A = arith.constant 0 : index
    %swap3A_22 = arith.constant 0 : index
    %swap3A_23 = vector.load %arg6[%swap3A, %swap3A_22] : memref<2048x6xf32, #tpu.memory_space<vmem>>, vector<2048x6xf32>
    tpu.vector_store %arg6[%swap3A, %swap3A_22], %add3A_21 {strides = array<i32>} : memref<2048x6xf32, #tpu.memory_space<vmem>>, vector<2048x6xf32>,
    return
  }
  func.func @transform_0(%arg0: i32) -> (i32, i32) {
    %c0_i32 = arith.constant 0 : i32
    %c0_i32_0 = arith.constant 0 : i32
    return %arg0, %c0_i32 : i32, i32
  }
  func.func @transform_1(%arg0: i32) -> (i32, i32) {
    %c0_i32 = arith.constant 0 : i32
    %c0_i32_0 = arith.constant 0 : i32
    %c0_i32_1 = arith.constant 0 : i32
    return %c0_i32, %c0_i32_0 : i32, i32
  }
  func.func @transform_2(%arg0: i32) -> (i32, i32) {
    %c0_i32 = arith.constant 0 : i32
    %c0_i32_0 = arith.constant 0 : i32
    %c0_i32_1 = arith.constant 0 : i32
    return %c0_i32, %c0_i32_0 : i32, i32
  }
  func.func @transform_3(%arg0: i32) -> (i32, i32) {
    %c0_i32 = arith.constant 0 : i32
    %c0_i32_0 = arith.constant 0 : i32
    %c0_i32_1 = arith.constant 0 : i32
    return %c0_i32, %c0_i32_0 : i32, i32
  }
  func.func @transform_4(%arg0: i32) -> (i32, i32) {
    %c0_i32 = arith.constant 0 : i32
    %c0_i32_0 = arith.constant 0 : i32
    %c0_i32_1 = arith.constant 0 : i32
    return %c0_i32, %c0_i32_0 : i32, i32
  }
  func.func @transform_5(%arg0: i32) -> (i32, i32) {
    %c0_i32 = arith.constant 0 : i32
    %c0_i32_0 = arith.constant 0 : i32
    return %arg0, %c0_i32 : i32, i32
  }
}

</mosaic_0001>

<sc_bundles>
// kernel: kernel.4.cloned.1.call-start
scs
__scs_entry_jumppad:
0x0: {  	(pc) =	sbr.rel $0x88, $3  }
0x1: {  	(tag) =	ssettag $0x0;
	lr =	simm.s32 $0x1  }
0x2: {  	[smem:$0x3F9B] =	sst lr;
	_ =	strace $0xD0000000  }
0x3: {  	_ = 	snop  }
0x4: {  	_ = 	snop  }
0x5: {  	_ = 	snop  }
0x6: {  	_ = 	snop  }
0x7: {  	_ = 	snop  }
__scs_overlays_trampoline_lowered:
0x8: {  	[smem:$0x3FAA] =	sst s0  }
0x9: {  	[smem:$0x3FAB] =	sst s1  }
0xa: {  	[smem:$0x3FAC] =	sst s2  }
0xb: {  	[smem:$0x3FAD] =	sst s3  }
0xc: {  	[smem:$0x3FAE] =	sst s4  }
0xd: {  	[smem:$0x3FAF] =	sst s5  }
0xe: {  	[smem:$0x3FB0] =	sst s6  }
0xf: {  	[smem:$0x3FB1] =	sst s7  }
0x10: {  	[smem:$0x3FB2] =	sst s8  }
0x11: {  	[smem:$0x3FB3] =	sst s9;
	s0 =	simm.s32 @!p0 $0x0  }
0x12: {  	s1 =	sld [smem:$0x3F99];
	s0 =	simm.s32 @p0 $0x1  }
0x13: {  	[smem:$0x3FB4] =	sst s0;
	s0 =	simm.s32 @!p1 $0x0  }
0x14: {  	s2 =	sld [smem:$0x3F98];
	s0 =	simm.s32 @p1 $0x1  }
0x15: {  	[smem:$0x3FB5] =	sst s0;
	s0 =	simm.s32 @!p2 $0x0  }
0x16: {  	s3 =	sld [smem:$0x3FDB];
	s0 =	simm.s32 @p2 $0x1  }
0x17: {  	s4 =	simm.s32 $0x1BF5;
	[smem:$0x3FB7] =	sst s0  }
0x18: {  	s0 =	sld [smem:$0x3F9A];
	_ =	swait.ge [sflag:s4], $0x0  }
0x19: {  	s7 =	sld [smem:$0x3F9B]  }
0x1a: {  	s8 =	sadd.s32 $0xFFFFE003, lr  }
0x1b: {  	s9 =	sadd.s32 $0xFFFFFEF7, lr;
	s5 =	simm.s32 $0xFFFFFFFF;
	p2 =	slt.u32 s8, $0xFFFFF086  }
0x1c: {  	p1 =	slt.u32 s9, $0xF7A;
	s5 =	simm.s32 @!p2 $0x0  }
0x1d: {  	s5 =	simm.s32 @p1 $0x1;
	p0 =	seq.s32 s7, s2  }
0x1e: {  	s7 =	smul.u32 @!p0 $0xF7A, s2;
	p2 =	seq.s32 @!p0 s5, $0x0  }
0x1f: {  	s9 =	smul.u32 $0xF7A, s1;
	s8 =	simm.s32 @!p0 $0x1BF5;
	p2 =	por !p2, p0  }
0x20: {  	[sflag:s8] =	ssyncset.s32 @!p0 $0xFFFFF086;
	s6 =	sadd.s32 @!p0 s3, s7;
	s7 =	simm.s32 @!p0 $0x108  }
0x21: {  	s3 =	sadd.s32 s3, s9;
	s6 =	sadd.s32 @!p0 $0x88, s6;
	s7 =	simm.s32 @p2 $0x1082  }
0x22: {  	[simem:s7], [sflag:s8] =	dma.local @!p0 [hbm:s6], $0xF7A  }
0x23: {  	s9 =	sor.u32 $0xD0000000, s2;
	s6 =	simm.s32 $0x108;
	_ =	swait.ge @!p0 [sflag:s8], $0x0  }
0x24: {  	s3 =	sadd.s32 $0x88, s3;
	s6 =	simm.s32 @!p1 $0x1082;
	[sflag:s4] =	ssyncset.s32 $0xFFFFF086  }
0x25: {  	[simem:s6], [sflag:s4] =	dma.local [hbm:s3], $0xF7A  }
0x26: {  	[smem:$0x3F9B] =	sst s1;
	(tag) =	ssettag s2;
	_ =	strace s9  }
0x27: {  	s1 =	sld [smem:$0x3FAB]  }
0x28: {  	s2 =	sld [smem:$0x3FAC]  }
0x29: {  	s4 =	sld [smem:$0x3FAE]  }
0x2a: {  	p0 =	seq.s32 s5, $0x0;
	s5 =	sld [smem:$0x3FAF]  }
0x2b: {  	s6 =	sld [smem:$0x3FB0]  }
0x2c: {  	s7 =	sld [smem:$0x3FB1]  }
0x2d: {  	s3 =	simm.s32 $0x108;
	s8 =	sld [smem:$0x3FB2]  }
0x2e: {  	s3 =	simm.s32 @!p0 $0x1082;
	s9 =	sld [smem:$0x3FB3]  }
0x2f: {  	lr =	sadd.s32 s0, s3;
	s0 =	sld [smem:$0x3FAA]  }
0x30: {  	s3 =	sld [smem:$0x3FAD]  }
0x31: {  	[smem:$0x3FB6] =	sst s10  }
0x32: {  	s10 =	sld [smem:$0x3FB4];
	_ =	sdelay $0x3  }
0x33: {  	p0 =	seq.s32 s10, $0x1;
	s10 =	sld [smem:$0x3FB6];
	_ =	sdelay $0x3  }
0x34: {  	[smem:$0x3FB6] =	sst s10  }
0x35: {  	s10 =	sld [smem:$0x3FB5];
	_ =	sdelay $0x3  }
0x36: {  	p1 =	seq.s32 s10, $0x1;
	s10 =	sld [smem:$0x3FB6];
	_ =	sdelay $0x3  }
0x37: {  	[smem:$0x3FB6] =	sst s10  }
0x38: {  	s10 =	sld [smem:$0x3FB7]  }
0x39: {  	_ = 	snop;
	(pc) =	sbr.ind lr, $3  }
0x3a: {  	_ = 	snop  }
0x3b: {  	_ = 	snop  }
0x3c: {  	p2 =	seq.s32 s10, $0x1;
	s10 =	sld [smem:$0x3FB6]  }
0x3d: {  	_ =	shalt  }
0x3e: {  	_ =	shalt  }
0x3f: {  	_ =	shalt  }
0x40: {  	_ =	shalt  }
0x41: {  	_ =	shalt  }
0x42: {  	_ =	shalt  }
0x43: {  	_ =	shalt  }
0x44: {  	_ =	shalt  }
0x45: {  	_ =	shalt  }
0x46: {  	_ =	shalt  }
0x47: {  	_ =	shalt  }
0x48: {  	_ =	shalt  }
0x49: {  	_ =	shalt  }
0x4a: {  	_ =	shalt  }
0x4b: {  	_ =	shalt  }
0x4c: {  	_ =	shalt  }
0x4d: {  	_ =	shalt  }
0x4e: {  	_ =	shalt  }
0x4f: {  	_ =	shalt  }
0x50: {  	_ =	shalt  }
0x51: {  	_ =	shalt  }
0x52: {  	_ =	shalt  }
0x53: {  	_ =	shalt  }
0x54: {  	_ =	shalt  }
0x55: {  	_ =	shalt  }
0x56: {  	_ =	shalt  }
0x57: {  	_ =	shalt  }
0x58: {  	_ =	shalt  }
0x59: {  	_ =	shalt  }
0x5a: {  	_ =	shalt  }
0x5b: {  	_ =	shalt  }
0x5c: {  	_ =	shalt  }
0x5d: {  	_ =	shalt  }
0x5e: {  	_ =	shalt  }
0x5f: {  	_ =	shalt  }
0x60: {  	_ =	shalt  }
0x61: {  	_ =	shalt  }
0x62: {  	_ =	shalt  }
0x63: {  	_ =	shalt  }
0x64: {  	_ =	shalt  }
0x65: {  	_ =	shalt  }
0x66: {  	_ =	shalt  }
0x67: {  	_ =	shalt  }
0x68: {  	_ =	shalt  }
0x69: {  	_ =	shalt  }
0x6a: {  	_ =	shalt  }
0x6b: {  	_ =	shalt  }
0x6c: {  	_ =	shalt  }
0x6d: {  	_ =	shalt  }
0x6e: {  	_ =	shalt  }
0x6f: {  	_ =	shalt  }
0x70: {  	_ =	shalt  }
0x71: {  	_ =	shalt  }
0x72: {  	_ =	shalt  }
0x73: {  	_ =	shalt  }
0x74: {  	_ =	shalt  }
0x75: {  	_ =	shalt  }
0x76: {  	_ =	shalt  }
0x77: {  	_ =	shalt  }
0x78: {  	_ =	shalt  }
0x79: {  	_ =	shalt  }
0x7a: {  	_ =	shalt  }
0x7b: {  	_ =	shalt  }
0x7c: {  	_ =	shalt  }
0x7d: {  	_ =	shalt  }
0x7e: {  	_ =	shalt  }
0x7f: {  	_ =	shalt  }
0x80: {  	_ =	shalt  }
0x81: {  	_ =	shalt  }
0x82: {  	_ =	shalt  }
0x83: {  	_ =	shalt  }
0x84: {  	_ =	shalt  }
0x85: {  	_ =	shalt  }
0x86: {  	_ =	shalt  }
0x87: {  	_ =	shalt  }
.Lfunc_end0:
.L_simem_size_0:
called_computation_lowered:
.L_overlay_start_0:
0x88: {  	s2 =	sld [smem:$0x3FD9]  }
0x89: {  	s3 =	sld [smem:$0x3FFE];
	_ =	sdelay $0x1  }
0x8a: {  	s1 =	srdreg.scid  }
0x8b: {  	s0 =	sand.u32 $0x1, s1  }
0x8c: {  	s17 =	sshll.u32 s0, $0xA;
	s2 =	sadd.s32 s3, s2  }
0x8d: {  	s2 =	sadd.s32 s2, s17  }
0x8e: {  	[smem:$0x3FC2] =	sst s2  }
0x8f: {  	_ = 	snop  }
0x90: {  	s2 =	sld [smem:$0x3FC9];
	(tm) =	ssettm $0x1  }
0x91: {  	s18 =	sld [smem:$0x3FFB];
	_ =	sdelay $0x3  }
0x92: {  	_ =	strace s18  }
0x93: {  	s3 =	sld [smem:$0x3FFC];
	_ =	sdelay $0x3  }
0x94: {  	_ =	strace s3  }
0x95: {  	s3 =	sld [smem:$0x3FFD];
	_ =	sdelay $0x3  }
0x96: {  	_ =	strace s3  }
0x97: {  	_ =	strace $0x8FFFFFFF  }
0x98: {  	s19 =	sld [smem:$0x3FDB];
	_ =	sdelay $0x1  }
0x99: {  	s4 =	simm.s32 $_scs_section_size  }
0x9a: {  	s5 =	simm.s32 $_size__tile_overlayer_lowered;
	s6 =	simm.s32 $_tile_overlayer_lowered  }
0x9b: {  	s22 =	simm.s32 $0x1BFF;
	s21 =	sshll.u32 s6, $0x1;
	s3 =	sadd.s32 s4, s19  }
0x9c: {  	s7 =	simm.s32 $0x0;
	s20 =	sshll.u32 s5, $0x1;
	s5 =	sadd.s32 s21, s3  }
0x9d: {  	[timem:s7], [sflag:s22] =	dma.local [hbm:s5], s20  }
0x9e: {  	_ =	swait.ge [sflag:s22], s20  }
0x9f: {  	s4 =	ssub.s32 $0x0, s20;
	[sflag:s22] =	ssyncset.done $0x0  }
0xa0: {  	[sflag:s22] =	ssyncadd.s32 s4;
	_ =	sdelay $0x1  }
0xa1: {  	s23 =	simm.s32 $0x1B8B  }
0xa2: {  	_ =	swait.ge [sflag:s23], $0x1  }
0xa3: {  	[sflag:s23] =	ssyncset.done $0x0  }
0xa4: {  	s25 =	simm.s32 $0x1B8E;
	s24 =	sld [smem:$0x3FFE];
	[sflag:s23] =	ssyncadd.s32 $0xFFFFFFFF  }
0xa5: {  	s26 =	simm.s32 $execute0_lowered;
	[smem:$0x3FD2] =	sst s25  }
0xa6: {  	s5 =	sshll.u32 s26, $0x1;
	_ =	strace $0x80000046;
	[dreg:$0x1] =	wrdreg $0xFFFFFFFF  }
0xa7: {  	s28 =	simm.s32 $_size_execute0_lowered;
	s3 =	sadd.s32 s3, s5;
	[dreg:$0x0] =	wrdreg $0x0  }
0xa8: {  	s5 =	sshll.u32 s28, $0x1;
	[dreg:$0x2] =	wrdreg s3  }
0xa9: {  	[dreg:$0x3] =	wrdreg s5  }
0xaa: {  	[dreg:$0x4] =	wrdreg $0xC0  }
0xab: {  	_ =	task [dreg:s7], $0x5FFFF  }
0xac: {  	[dreg:$0x1] =	wrdreg $0xFFFFFFFF  }
0xad: {  	[dreg:$0x0] =	wrdreg $0x60  }
0xae: {  	[dreg:$0x2] =	wrdreg s2  }
0xaf: {  	[dreg:$0x3] =	wrdreg s24  }
0xb0: {  	[dreg:$0x4] =	wrdreg $0x9  }
0xb1: {  	_ =	task.clear_ibuf [dreg:s7], $0x5FFFF;
	_ =	strace $0x90000046  }
0xb2: {  	s29 =	simm.s32 $0x9;
	_ =	strace $0x80000048  }
0xb3: {  	_ =	swait.ge [sflag:s29], $0x1  }
0xb4: {  	[sflag:s29] =	ssyncadd.s32 $0xFFFFFFFF  }
0xb5: {  	_ =	strace $0x90000048  }
0xb6: {  	_ =	sfence  }
0xb7: {  	s30 =	sld [smem:$0x0];
	_ =	sdelay $0x2  }
0xb8: {  	s31 =	sshll.u32 s1, $0xD;
	s1 =	sshrl.u32 s1, $0x2  }
0xb9: {  	s3 =	sand.u32 $0x4000, s31;
	s1 =	sadd.s32 s1, s30  }
0xba: {  	s0 =	sor.u32 s3, s0;
	s1 =	sshll.u32 s1, $0x11  }
0xbb: {  	s0 =	sor.u32 s1, s0  }
0xbc: {  	s0 =	sadd.s32 $0x8F2B, s0  }
0xbd: {  	[sflag:s0] =	ssyncadd.remote.s32 $0x1  }
0xbe: {  	_ =	sfence.sel $0xFFFF  }
0xbf: {  	[dreg:$0x0] =	wrdreg $0xFFFFFFFF;
	(pc) =	sbr.abs _section_cstart, $3  }
0xc0: {  	[dreg:$0x1] =	wrdreg $0xFFFFFFFF  }
0xc1: {  	_ =	task.clear_ibuf [dreg:s7], $0x2FFFF;
	_ =	strace $0x9FFFFFFF  }
0xc2: {  	(tm) =	ssettm $0x7FFFFFFF  }
0xc3: {  	_ =	shalt  }
tec
execute0_lowered:
.L_overlay_start_1:
0x0: {  	(tag) =	ssettag $0x1  }
0x1: {  	s4 =	rddreg [dreg:$0x0]  }
0x2: {  	s5 =	rddreg [dreg:$0x1];
	s3 =	srdreg.scid  }
0x3: {  	s2 =	simm.s32 $0x0;
	s0 =	stileid.u32;
	s9 =	simm.s32 $0x3  }
0x4: {  	s10 =	simm.s32 $0x4;
	s11 =	simm.s32 $0x5;
	s12 =	simm.s32 $0x6  }
0x5: {  	s13 =	simm.s32 $0x7;
	s14 =	simm.s32 $0x8;
	s6 =	sand.u32 $0x1, s3  }
0x6: {  	[smem:$0x7FF] =	sst s2;
	s26 =	sshll.u32 s0, $0xA;
	s7 =	sshll.u32 s6, $0x9  }
0x7: {  	s3 =	sadd.s32 $0xE00, s5;
	s6 =	ssub.s32 $0x2, s6;
	s7 =	sor.u32 s7, s26  }
0x8: {  	s28 =	sshrl.u32 s6, $0x1;
	s8 =	sshll.u32 s7, $0x4;
	s7 =	sshrl.u32 s7, $0x3  }
0x9: {  	_ =	strace $0x80000047;
	s6 =	ssub.s32 s6, s28;
	s29 =	sadd.s32 s4, s7  }
0xa: {  	s5 =	sadd.s32 s8, s5;
	s31 =	smax.u32 s6, $0x1;
	[dreg:$0x3] =	wrdreg s29  }
0xb: {  	s15 =	simm.s32 $0x9;
	s30 =	sadd.s32 $0xF43200, s5;
	[dreg:$0x5] =	wrdreg s31  }
0xc: {  	s17 =	simm.s32 $0x0;
	s7 =	simm.s32 $0x1;
	[dreg:$0x4] =	wrdreg s30  }
.LBB2_1:
0xd: {  	s0 =	rddreg [dreg:$0x3]  }
0xe: {  	[tilespmem:s2], [sflag:$0x1] =	stream.linear.gather [hbm4b:s0+s2], $0x200, $0x38;
	[tilespmem:$0x10200] =	vst v63  }
0xf: {  	_ =	swait.ge [sflag:s7], $0x200  }
0x10: {  	[sflag:s7] =	ssyncset.done $0x0  }
0x11: {  	[sflag:s7] =	ssyncadd.s32 $0xFFFFFE00  }
0x12: {  	v0 =	vld [tilespmem:s2+$0x0];
	_ =	sdelay $0x4  }
0x13: {  	v0 =	vshll.u32 v0, $0x4  }
0x14: {  	(v2sf) =	vpush v0, $0x0  }
0x15: {  	(v2sf) =	vpush v0, $0x1  }
0x16: {  	(v2sf) =	vpush v0, $0x2;
	_ =	sdelay $0x1  }
0x17: {  	(v2sf) =	vpush v0, $0x4;
	_ =	sdelay $0x1  }
0x18: {  	(v2sf) =	vpush v0, $0x3  }
0x19: {  	(v2sf) =	vpush v0, $0x5  }
0x1a: {  	s19 =	simm.s32 $0x2000;
	s18 =	simm.s32 $0x0;
	s20 =	simm.s32 $0x0;
	(v2sf) =	vpush v0, $0x6  }
.LBB2_2:
0x1b: {  	p0 =	sne.s32 s19, $0x3E000  }
0x1c: {  	s31 =	sadd.s32 $0x280, s18;
	s24 =	sadd.s32 $0x780, s18;
	s21 =	smov.u32 s19  }
0x1d: {  	s19 =	sadd.s32 $0x2000, s19;
	s28 =	sadd.s32 $0x580, s18;
	s22 =	sadd.s32 $0x800, s18;
	(v2sf) =	vpush v0, $0x7  }
0x1e: {  	s30 =	sadd.s32 $0x480, s18;
	s26 =	sadd.s32 $0x600, s18;
	s23 =	sadd.s32 $0x880, s18  }
0x1f: {  	s0 =	sadd.s32 $0x200, s18;
	s1 =	sadd.s32 $0x400, s18;
	(v2sf) =	vpush v0, $0x8  }
0x20: {  	s16 =	sadd.s32 $0x500, s18;
	s20 =	sadd.s32 $0x10, s20  }
0x21: {  	s4 =	sadd.s32 $0x300, s18;
	s25 =	sadd.s32 $0x700, s18;
	s29 =	spop (v2sf);
	(v2sf) =	vpush v0, $0x9  }
0x22: {  	s5 =	sand.u32 $0x1FFFFFF0, s29;
	s29 =	sadd.s32 $0x680, s18;
	s6 =	spop (v2sf)  }
0x23: {  	s5 =	sadd.s32 s3, s5;
	s6 =	sand.u32 $0x1FFFFFF0, s6;
	s8 =	spop (v2sf);
	(v2sf) =	vpush v0, $0xA  }
0x24: {  	[tilespmem:s0], [sflag:$0x2] =	stream.linear.gather [hbm4b:s5+s2], $0x80, $0x38;
	[tilespmem:$0x10200] =	vst v63  }
0x25: {  	s0 =	sadd.s32 s3, s6;
	s5 =	sadd.s32 $0x380, s18;
	s6 =	spop (v2sf);
	(v2sf) =	vpush v0, $0xB  }
0x26: {  	[tilespmem:s31], [sflag:$0x3] =	stream.linear.gather [hbm4b:s0+s2], $0x80, $0x38;
	[tilespmem:$0x10200] =	vst v63  }
0x27: {  	s0 =	sand.u32 $0x1FFFFFF0, s8;
	s6 =	sand.u32 $0x1FFFFFF0, s6;
	s8 =	spop (v2sf);
	(v2sf) =	vpush v0, $0xC  }
0x28: {  	s0 =	sadd.s32 s3, s0;
	s8 =	sand.u32 $0x1FFFFFF0, s8;
	s31 =	spop (v2sf)  }
0x29: {  	[tilespmem:s4], [sflag:$0x4] =	stream.linear.gather [hbm4b:s0+s2], $0x80, $0x38;
	(v2sf) =	vpush v0, $0xD;
	[tilespmem:$0x10200] =	vst v63  }
0x2a: {  	s0 =	sadd.s32 s3, s8;
	s4 =	sand.u32 $0x1FFFFFF0, s31;
	s8 =	spop (v2sf)  }
0x2b: {  	[tilespmem:s5], [sflag:$0x5] =	stream.linear.gather [hbm4b:s0+s2], $0x80, $0x38;
	(v2sf) =	vpush v0, $0xE;
	[tilespmem:$0x10200] =	vst v63  }
0x2c: {  	s0 =	sadd.s32 s3, s6;
	s5 =	sand.u32 $0x1FFFFFF0, s8;
	s6 =	spop (v2sf)  }
0x2d: {  	[tilespmem:s1], [sflag:$0x6] =	stream.linear.gather [hbm4b:s0+s2], $0x80, $0x38;
	(v2sf) =	vpush v0, $0xF;
	[tilespmem:$0x10200] =	vst v63  }
0x2e: {  	s0 =	sadd.s32 s3, s4;
	s1 =	sand.u32 $0x1FFFFFF0, s6;
	s4 =	spop (v2sf)  }
0x2f: {  	[tilespmem:s30], [sflag:$0x7] =	stream.linear.gather [hbm4b:s0+s2], $0x80, $0x38;
	[tilespmem:$0x10200] =	vst v63  }
0x30: {  	s0 =	sadd.s32 s3, s5;
	s4 =	sand.u32 $0x1FFFFFF0, s4;
	s5 =	spop (v2sf)  }
0x31: {  	[tilespmem:s16], [sflag:$0x8] =	stream.linear.gather [hbm4b:s0+s2], $0x80, $0x38;
	[tilespmem:$0x10200] =	vst v63  }
0x32: {  	s0 =	sadd.s32 s3, s1;
	s1 =	sand.u32 $0x1FFFFFF0, s5;
	s5 =	spop (v2sf)  }
0x33: {  	[tilespmem:s28], [sflag:$0x9] =	stream.linear.gather [hbm4b:s0+s2], $0x80, $0x38;
	[tilespmem:$0x10200] =	vst v63  }
0x34: {  	s0 =	sadd.s32 s3, s4;
	s4 =	sand.u32 $0x1FFFFFF0, s5;
	s5 =	spop (v2sf)  }
0x35: {  	[tilespmem:s26], [sflag:$0x2] =	stream.linear.gather [hbm4b:s0+s2], $0x80, $0x38;
	[tilespmem:$0x10200] =	vst v63  }
0x36: {  	s0 =	sadd.s32 s3, s1;
	s1 =	sand.u32 $0x1FFFFFF0, s5;
	s5 =	spop (v2sf)  }
0x37: {  	[tilespmem:s29], [sflag:$0x3] =	stream.linear.gather [hbm4b:s0+s2], $0x80, $0x38;
	[tilespmem:$0x10200] =	vst v63  }
0x38: {  	s0 =	sadd.s32 s3, s4;
	s4 =	sand.u32 $0x1FFFFFF0, s5;
	s5 =	spop (v2sf)  }
0x39: {  	[tilespmem:s25], [sflag:$0x4] =	stream.linear.gather [hbm4b:s0+s2], $0x80, $0x38;
	[tilespmem:$0x10200] =	vst v63  }
0x3a: {  	s0 =	sadd.s32 s3, s1;
	s1 =	sand.u32 $0x1FFFFFF0, s5;
	s5 =	spop (v2sf)  }
0x3b: {  	[tilespmem:s24], [sflag:$0x5] =	stream.linear.gather [hbm4b:s0+s2], $0x80, $0x38;
	[tilespmem:$0x10200] =	vst v63  }
0x3c: {  	s0 =	sadd.s32 s3, s4;
	s4 =	sand.u32 $0x1FFFFFF0, s5;
	s5 =	spop (v2sf)  }
0x3d: {  	[tilespmem:s22], [sflag:$0x6] =	stream.linear.gather [hbm4b:s0+s2], $0x80, $0x38;
	[tilespmem:$0x10200] =	vst v63  }
0x3e: {  	s0 =	sadd.s32 s3, s1;
	s1 =	sand.u32 $0x1FFFFFF0, s5  }
0x3f: {  	[tilespmem:s23], [sflag:$0x7] =	stream.linear.gather [hbm4b:s0+s2], $0x80, $0x38;
	[tilespmem:$0x10200] =	vst v63  }
0x40: {  	s4 =	sadd.s32 s3, s4;
	s0 =	sadd.s32 $0x900, s18  }
0x41: {  	[tilespmem:s0], [sflag:$0x8] =	stream.linear.gather [hbm4b:s4+s2], $0x80, $0x38;
	[tilespmem:$0x10200] =	vst v63  }
0x42: {  	s1 =	sadd.s32 s3, s1;
	s0 =	sadd.s32 $0x980, s18  }
0x43: {  	[tilespmem:s0], [sflag:$0x9] =	stream.linear.gather [hbm4b:s1+s2], $0x80, $0x38;
	[tilespmem:$0x10200] =	vst v63  }
0x44: {  	v0 =	vld [tilespmem:s20+$0x0];
	_ =	sdelay $0x4  }
0x45: {  	v0 =	vshll.u32 v0, $0x4  }
0x46: {  	(v2sf) =	vpush v0, $0x0  }
0x47: {  	(v2sf) =	vpush v0, $0x1  }
0x48: {  	(v2sf) =	vpush v0, $0x2;
	_ =	sdelay $0x1  }
0x49: {  	(v2sf) =	vpush v0, $0x4  }
.Ltmp0:
0x4a: {  	(pc) =	sbr.rel @p0 .LBB2_2-.Ltmp0, $3  }
0x4b: {  	(v2sf) =	vpush v0, $0x3  }
0x4c: {  	(v2sf) =	vpush v0, $0x5;
	_ =	sdelay $0x1  }
0x4d: {  	s18 =	sshra.s32 s21, $0x2;
	(v2sf) =	vpush v0, $0x6  }
0x4e: {  	_ =	sdelay $0x5  }
0x4f: {  	s0 =	spop (v2sf)  }
0x50: {  	s1 =	spop (v2sf)  }
0x51: {  	s5 =	spop (v2sf)  }
0x52: {  	s16 =	spop (v2sf);
	(v2sf) =	vpush v0, $0x7  }
0x53: {  	s0 =	sand.u32 $0x1FFFFFF0, s0  }
0x54: {  	s4 =	sadd.s32 $0x200, s18;
	s0 =	sadd.s32 s3, s0  }
0x55: {  	[tilespmem:s4], [sflag:$0x2] =	stream.linear.gather [hbm4b:s0+s2], $0x80, $0x38;
	[tilespmem:$0x10200] =	vst v63  }
0x56: {  	s1 =	sand.u32 $0x1FFFFFF0, s1;
	s19 =	spop (v2sf);
	(v2sf) =	vpush v0, $0x8  }
0x57: {  	s4 =	sadd.s32 $0x280, s18;
	s1 =	sadd.s32 s3, s1  }
0x58: {  	[tilespmem:s4], [sflag:$0x3] =	stream.linear.gather [hbm4b:s1+s2], $0x80, $0x38;
	[tilespmem:$0x10200] =	vst v63  }
0x59: {  	s6 =	sand.u32 $0x1FFFFFF0, s5;
	s23 =	spop (v2sf);
	(v2sf) =	vpush v0, $0x9  }
0x5a: {  	s8 =	sadd.s32 $0x300, s18;
	s0 =	sadd.s32 s3, s6  }
0x5b: {  	[tilespmem:s8], [sflag:$0x4] =	stream.linear.gather [hbm4b:s0+s2], $0x80, $0x38;
	[tilespmem:$0x10200] =	vst v63  }
0x5c: {  	s0 =	sand.u32 $0x1FFFFFF0, s19;
	s25 =	spop (v2sf);
	(v2sf) =	vpush v0, $0xA  }
0x5d: {  	s20 =	sadd.s32 $0x380, s18;
	s21 =	sand.u32 $0x1FFFFFF0, s16;
	s0 =	sadd.s32 s3, s0  }
0x5e: {  	[tilespmem:s20], [sflag:$0x5] =	stream.linear.gather [hbm4b:s0+s2], $0x80, $0x38;
	[tilespmem:$0x10200] =	vst v63  }
0x5f: {  	s22 =	sadd.s32 $0x400, s18;
	s0 =	sadd.s32 s3, s21  }
0x60: {  	[tilespmem:s22], [sflag:$0x6] =	stream.linear.gather [hbm4b:s0+s2], $0x80, $0x38;
	[tilespmem:$0x10200] =	vst v63  }
0x61: {  	s0 =	sand.u32 $0x1FFFFFF0, s23;
	s28 =	spop (v2sf);
	(v2sf) =	vpush v0, $0xB  }
0x62: {  	s24 =	sadd.s32 $0x480, s18;
	s0 =	sadd.s32 s3, s0  }
0x63: {  	[tilespmem:s24], [sflag:$0x7] =	stream.linear.gather [hbm4b:s0+s2], $0x80, $0x38;
	[tilespmem:$0x10200] =	vst v63  }
0x64: {  	s0 =	sand.u32 $0x1FFFFFF0, s25  }
0x65: {  	s26 =	sadd.s32 $0x500, s18;
	s0 =	sadd.s32 s3, s0;
	s30 =	spop (v2sf);
	(v2sf) =	vpush v0, $0xC  }
0x66: {  	[tilespmem:s26], [sflag:$0x8] =	stream.linear.gather [hbm4b:s0+s2], $0x80, $0x38;
	[tilespmem:$0x10200] =	vst v63  }
0x67: {  	s0 =	sand.u32 $0x1FFFFFF0, s28  }
0x68: {  	s29 =	sadd.s32 $0x580, s18;
	s0 =	sadd.s32 s3, s0;
	s1 =	spop (v2sf);
	(v2sf) =	vpush v0, $0xD  }
0x69: {  	[tilespmem:s29], [sflag:$0x9] =	stream.linear.gather [hbm4b:s0+s2], $0x80, $0x38;
	[tilespmem:$0x10200] =	vst v63  }
0x6a: {  	s0 =	sand.u32 $0x1FFFFFF0, s30  }
0x6b: {  	s31 =	sadd.s32 $0x600, s18;
	s0 =	sadd.s32 s3, s0;
	s5 =	spop (v2sf);
	(v2sf) =	vpush v0, $0xE  }
0x6c: {  	[tilespmem:s31], [sflag:$0x2] =	stream.linear.gather [hbm4b:s0+s2], $0x80, $0x38;
	[tilespmem:$0x10200] =	vst v63  }
0x6d: {  	s0 =	sand.u32 $0x1FFFFFF0, s1  }
0x6e: {  	s4 =	sadd.s32 $0x680, s18;
	s0 =	sadd.s32 s3, s0  }
0x6f: {  	[tilespmem:s4], [sflag:$0x3] =	stream.linear.gather [hbm4b:s0+s2], $0x80, $0x38;
	[tilespmem:$0x10200] =	vst v63  }
0x70: {  	s0 =	sand.u32 $0x1FFFFFF0, s5;
	s8 =	spop (v2sf);
	(v2sf) =	vpush v0, $0xF  }
0x71: {  	s6 =	sadd.s32 $0x700, s18;
	s0 =	sadd.s32 s3, s0  }
0x72: {  	[tilespmem:s6], [sflag:$0x4] =	stream.linear.gather [hbm4b:s0+s2], $0x80, $0x38;
	[tilespmem:$0x10200] =	vst v63  }
0x73: {  	s0 =	sand.u32 $0x1FFFFFF0, s8  }
0x74: {  	s16 =	sadd.s32 $0x780, s18;
	s0 =	sadd.s32 s3, s0;
	s19 =	spop (v2sf)  }
0x75: {  	[tilespmem:s16], [sflag:$0x5] =	stream.linear.gather [hbm4b:s0+s2], $0x80, $0x38;
	[tilespmem:$0x10200] =	vst v63  }
0x76: {  	s0 =	sand.u32 $0x1FFFFFF0, s19  }
0x77: {  	s20 =	sadd.s32 $0x800, s18;
	s21 =	spop (v2sf);
	s0 =	sadd.s32 s3, s0  }
0x78: {  	[tilespmem:s20], [sflag:$0x6] =	stream.linear.gather [hbm4b:s0+s2], $0x80, $0x38;
	[tilespmem:$0x10200] =	vst v63  }
0x79: {  	s0 =	sand.u32 $0x1FFFFFF0, s21  }
0x7a: {  	s22 =	sadd.s32 $0x880, s18;
	s23 =	spop (v2sf);
	s0 =	sadd.s32 s3, s0  }
0x7b: {  	[tilespmem:s22], [sflag:$0x7] =	stream.linear.gather [hbm4b:s0+s2], $0x80, $0x38;
	[tilespmem:$0x10200] =	vst v63  }
0x7c: {  	s0 =	sand.u32 $0x1FFFFFF0, s23  }
0x7d: {  	s24 =	sadd.s32 $0x900, s18;
	s0 =	sadd.s32 s3, s0  }
0x7e: {  	[tilespmem:s24], [sflag:$0x8] =	stream.linear.gather [hbm4b:s0+s2], $0x80, $0x38;
	[tilespmem:$0x10200] =	vst v63  }
0x7f: {  	s25 =	spop (v2sf)  }
0x80: {  	s0 =	sand.u32 $0x1FFFFFF0, s25  }
0x81: {  	s26 =	sadd.s32 $0x980, s18;
	s28 =	simm.s32 $0x2;
	s0 =	sadd.s32 s3, s0  }
0x82: {  	[tilespmem:s26], [sflag:$0x9] =	stream.linear.gather [hbm4b:s0+s2], $0x80, $0x38;
	[tilespmem:$0x10200] =	vst v63  }
0x83: {  	_ =	swait.ge [sflag:s28], $0x2000  }
0x84: {  	[sflag:s28] =	ssyncset.done $0x0  }
0x85: {  	[sflag:s28] =	ssyncadd.s32 $0xFFFFE000  }
0x86: {  	_ =	swait.ge [sflag:s9], $0x2000  }
0x87: {  	[sflag:s9] =	ssyncset.done $0x0  }
0x88: {  	[sflag:s9] =	ssyncadd.s32 $0xFFFFE000  }
0x89: {  	_ =	swait.ge [sflag:s10], $0x2000  }
0x8a: {  	[sflag:s10] =	ssyncset.done $0x0  }
0x8b: {  	[sflag:s10] =	ssyncadd.s32 $0xFFFFE000  }
0x8c: {  	_ =	swait.ge [sflag:s11], $0x2000  }
0x8d: {  	[sflag:s11] =	ssyncset.done $0x0  }
0x8e: {  	[sflag:s11] =	ssyncadd.s32 $0xFFFFE000  }
0x8f: {  	_ =	swait.ge [sflag:s12], $0x2000  }
0x90: {  	[sflag:s12] =	ssyncset.done $0x0  }
0x91: {  	[sflag:s12] =	ssyncadd.s32 $0xFFFFE000  }
0x92: {  	_ =	swait.ge [sflag:s13], $0x2000  }
0x93: {  	[sflag:s13] =	ssyncset.done $0x0  }
0x94: {  	[sflag:s13] =	ssyncadd.s32 $0xFFFFE000  }
0x95: {  	_ =	swait.ge [sflag:s14], $0x2000  }
0x96: {  	[sflag:s14] =	ssyncset.done $0x0  }
0x97: {  	[sflag:s14] =	ssyncadd.s32 $0xFFFFE000  }
0x98: {  	_ =	swait.ge [sflag:s15], $0x2000  }
0x99: {  	[sflag:s15] =	ssyncset.done $0x0  }
0x9a: {  	s30 =	simm.s32 $0x200;
	s29 =	rddreg [dreg:$0x4];
	[sflag:s15] =	ssyncadd.s32 $0xFFFFE000  }
0x9b: {  	[hbm4b:s29+s2] =	stream.linear.scatter [tilespmem:s30], [sflag:$0x1], $0x10000, $0x38;
	[tilespmem:$0x10200] =	vst v63  }
0x9c: {  	_ =	swait.ge [sflag:s7], $0x10000  }
0x9d: {  	s17 =	sadd.s32 $0x1, s17;
	s31 =	rddreg [dreg:$0x5]  }
0x9e: {  	p0 =	sne.s32 s17, s31  }
.Ltmp1:
0x9f: {  	_ = 	snop;
	(pc) =	sbr.rel @p0 .LBB2_1-.Ltmp1, $3  }
0xa0: {  	_ =	sdelay $0x1  }
0xa1: {  	[sflag:s7] =	ssyncset.done $0x0  }
0xa2: {  	[sflag:s7] =	ssyncadd.s32 $0xFFFF0000  }
0xa3: {  	_ =	sfence.sel $0x180000  }
0xa4: {  	[bflag:$0x0] =	sbarrier.arrive $0xFFFF  }
0xa5: {  	_ =	strace $0x90000047  }
0xa6: {  	s0 =	stileid.u32;
	[bflag:$0x2] =	sbarrier.arrive $0xFFFF  }
0xa7: {  	p0 =	sne.s32 s0, $0x0;
	s0 =	rddreg [dreg:$0x2]  }
0xa8: {  	s0 =	sadd.s32 @!p0 $0x100000, s0  }
0xa9: {  	[sflag:s0] =	ssyncadd.tile.s32 @!p0 $0x1;
	_ =	shalt  }
.Lfunc_end2:
_tile_overlayer_lowered:
.L_overlay_start_2:
0xaa: {  	(tag) =	ssettag $0x2  }
0xab: {  	s0 =	rddreg [dreg:$0x0];
	s2 =	stileid.u32  }
0xac: {  	s1 =	rddreg [dreg:$0x1];
	p0 =	sne.s32 s2, $0x0  }
0xad: {  	s3 =	rddreg [dreg:$0x2];
	[bflag:$0x3] =	sbarrier.arrive $0xFFFF;
	s2 =	simm.s32 @!p0 $0x1C0A  }
0xae: {  	[timem:s3], [sflag:s2] =	dma.local @!p0 [hbm:s0], s1  }
0xaf: {  	s0 =	simm.s32 @!p0 $0xA  }
0xb0: {  	_ =	swait.ge @!p0 [sflag:s0], s1  }
0xb1: {  	s1 =	ssub.s32 @!p0 $0x0, s1;
	[sflag:s0] =	ssyncset.done @!p0 $0x0  }
0xb2: {  	[sflag:s0] =	ssyncadd.s32 @!p0 s1  }
0xb3: {  	[bflag:$0x3] =	sbarrier.arrive $0xFFFF  }
0xb4: {  	_ =	shalt  }

</sc_bundles>
